<compile_context>
chip_gen: v7x
topology: tpu7x:2x2x1
jax: 0.10.2.dev20260603
libtpu: 0.0.44.dev20260713+nightly
codegen_flags: <defaults>
</compile_context>

<pallas_src>
import functools
import math

import jax
import jax.numpy as jnp
from jax import lax
from jax.experimental import pallas as pl
from jax.experimental.pallas import tpu as pltpu
from jax.experimental.pallas import tpu_sc as plsc

_D = 64
_SCALE = math.sqrt(_D)
_NC = 2
_NS = 16
_NW = _NC * _NS
_L = 16
_SB = 128
_SP = 133
_NBUF = 4


@functools.lru_cache(maxsize=None)
def _embed_kernel(S, T):
    n_sblk = S // _SB
    assert n_sblk == _NW and T % _NBUF == 0
    n_super = T // _NBUF

    mesh = plsc.VectorSubcoreMesh(core_axis_name="c", subcore_axis_name="s")

    @functools.partial(
        pl.kernel,
        mesh=mesh,
        out_type=jax.ShapeDtypeStruct(
            (T, _D // 8, n_sblk, 8, _SB), jnp.float32
        ),
        scratch_types=[
            pltpu.VMEM((T, _SB), jnp.int32),
            pltpu.VMEM((_NBUF, _SB, _D), jnp.float32),
            pltpu.VMEM((_NBUF, _D // 8, 8, _SP), jnp.float32),
        ]
        + [pltpu.SemaphoreType.DMA] * (2 * _NBUF),
        compiler_params=pltpu.CompilerParams(
            use_tc_tiling_on_sc=False, needs_layout_passes=False
        ),
    )
    def k(idx_hbm, table_hbm, out_hbm, idx_v, rows_v, st_v, *sems):
        sg = sems[:_NBUF]
        ss = sems[_NBUF:]
        wid = lax.axis_index("s") * _NC + lax.axis_index("c")
        s0 = pl.multiple_of(wid * _SB, _SB)
        pltpu.sync_copy(idx_hbm.at[:, pl.ds(s0, _SB)], idx_v)

        def gather_copy(t, b):
            return pltpu.make_async_copy(
                table_hbm.at[idx_v.at[t]],
                rows_v.at[b],
                sg[b],
            )

        def store_copy(t, b):
            return pltpu.make_async_copy(
                st_v.at[b].at[:, :, pl.ds(0, _SB)],
                out_hbm.at[t, :, wid, :, :],
                ss[b],
            )

        gather_copy(0, 0).start()
        gather_copy(1, 1).start()

        iota = lax.iota(jnp.int32, _L)
        fo_vecs = [(2 * g) + (iota // 8) for g in range(_D // _L)]
        fi_vec = lax.rem(iota, 8)

        def super_body(sp, carry):
            for b in range(_NBUF):
                t = _NBUF * sp + b
                bw = (b + 2) % _NBUF

                if b >= 2:
                    store_copy(t - 2, bw).wait()
                else:
                    @pl.when(sp >= 1)
                    def _():
                        store_copy(t - 2, bw).wait()

                if b < 2:
                    gather_copy(t + 2, bw).start()
                else:
                    @pl.when(sp < n_super - 1)
                    def _():
                        gather_copy(t + 2, bw).start()

                gather_copy(t, b).wait()

                rows = rows_v.at[b]
                st = st_v.at[b]

                @plsc.parallel_loop(0, _SB, unroll=4)
                def _(p):
                    pv = jnp.zeros((_L,), jnp.int32) + p
                    for g in range(_D // _L):
                        v = rows[p, pl.ds(g * _L, _L)]
                        plsc.store_scatter(
                            st, [fo_vecs[g], fi_vec, pv], v * _SCALE
                        )

                store_copy(t, b).start()
            return carry

        lax.fori_loop(0, n_super, super_body, 0)
        store_copy(T - 2, (T - 2) % _NBUF).wait()
        store_copy(T - 1, (T - 1) % _NBUF).wait()

    return k


def kernel(inputs, table):
    S, T = inputs.shape
    out5 = _embed_kernel(S, T)(inputs.T, table)
    return out5.transpose(2, 4, 0, 1, 3).reshape(S, T, _D)

# --- scband reference (transcript-rebuilt; emitter-appended) ---
"""Pipeline reference for scband-embedding-55585466745355 (READ-ONLY COPY).

The authoritative reference and input builder live on the scoring server;
editing this copy changes nothing except your own understanding.
"""

import jax, jax.numpy as jnp
import numpy as np
import math

NUM_EMBEDDINGS = 1000000
D_MODEL = 64
PAD_ID = 0
SQRT_DIM = math.sqrt(D_MODEL)


def setup_inputs(seed: int = 0) -> dict:
    key = jax.random.key(seed)
    k1, k2 = jax.random.split(key)
    table = jax.random.normal(k1, (NUM_EMBEDDINGS, D_MODEL), dtype=jnp.float32)
    # nn.Embedding with padding_idx initializes the pad row to zeros
    table = table.at[PAD_ID].set(0.0)
    inputs = jax.random.randint(k2, (4096, 200), 0, NUM_EMBEDDINGS, dtype=jnp.int32)
    return {"inputs": inputs, "table": table}


def reference(inputs, table):
    # Embedding lookup (gather) followed by sqrt(d_model) scaling
    return jnp.take(table, inputs, axis=0) * SQRT_DIM

if __name__ == "__main__":
    import jax
    _d = setup_inputs()
    print(jax.jit(kernel)(*tuple(_d.values())))

</pallas_src>

<mosaic_0001>
#map = affine_map<(d0, d1) -> (0, 0)>
#map1 = affine_map<(d0, d1) -> (0, 0, 0, 0, 0)>
module attributes {stable_mosaic.version = 14 : i64} {
  func.func @k(%arg0: i32, %arg1: i32, %arg2: memref<200x4096xi32, #tpu.memory_space<hbm>>, %arg3: memref<1000000x64xf32, #tpu.memory_space<hbm>>, %arg4: memref<200x8x32x8x128xf32, #tpu.memory_space<hbm>>, %arg5: memref<200x128xi32, #tpu.memory_space<vmem>>, %arg6: memref<4x128x64xf32, #tpu.memory_space<vmem>>, %arg7: memref<4x8x8x133xf32, #tpu.memory_space<vmem>>, %arg8: memref<!tpu.dma_semaphore, #tpu.memory_space<semaphore_mem>>, %arg9: memref<!tpu.dma_semaphore, #tpu.memory_space<semaphore_mem>>, %arg10: memref<!tpu.dma_semaphore, #tpu.memory_space<semaphore_mem>>, %arg11: memref<!tpu.dma_semaphore, #tpu.memory_space<semaphore_mem>>, %arg12: memref<!tpu.dma_semaphore, #tpu.memory_space<semaphore_mem>>, %arg13: memref<!tpu.dma_semaphore, #tpu.memory_space<semaphore_mem>>, %arg14: memref<!tpu.dma_semaphore, #tpu.memory_space<semaphore_mem>>, %arg15: memref<!tpu.dma_semaphore, #tpu.memory_space<semaphore_mem>>) attributes {dimension_semantics = [#tpu.dimension_semantics<core_parallel>, #tpu.dimension_semantics<subcore_parallel>], iteration_bounds = array<i64: 2, 16>, scalar_prefetch = 0 : i64, scratch_operands = 11 : i64, tpu.core_type = #tpu.core_type<sc_vector_subcore>, window_params = [{transform_indices = #map}, {transform_indices = #map}, {transform_indices = #map1}]} {
    %mul3A = arith.constant 2 : i32
    %mul3A_0 = arith.muli %arg1, %mul3A : i32
    %add3A = arith.addi %mul3A_0, %arg0 : i32
    %mul3A_1 = arith.constant 128 : i32
    %mul3A_2 = arith.muli %add3A, %mul3A_1 : i32
    %multiple_of3A = tpu.assume_multiple %mul3A_2, 128 : i32
    "tpu.region"() ({
      %run_scoped3A = tpu.sem_alloc : memref<!tpu.dma_semaphore, #tpu.memory_space<semaphore_mem>>
      %dma_start3A_221 = arith.constant 0 : i32
      %dma_start3A_222 = tpu.memref_slice %arg2[%dma_start3A_221, %multiple_of3A] : memref<200x4096xi32, #tpu.memory_space<hbm>> -> memref<200x128xi32, #tpu.memory_space<hbm>>
      %dma_start3A_223 = arith.constant 0 : i32
      %dma_start3A_224 = tpu.memref_slice %arg2[%dma_start3A_223, %multiple_of3A] : memref<200x4096xi32, #tpu.memory_space<hbm>> -> memref<200x128xi32, #tpu.memory_space<hbm>>
      tpu.enqueue_dma source(%dma_start3A_224 : memref<200x128xi32, #tpu.memory_space<hbm>>) target(%arg5 : memref<200x128xi32, #tpu.memory_space<vmem>>) target_semaphore(%run_scoped3A : memref<!tpu.dma_semaphore, #tpu.memory_space<semaphore_mem>>)
      %dma_wait3A_225 = arith.constant 0 : i32
      %dma_wait3A_226 = tpu.memref_slice %arg2[%dma_wait3A_225, %multiple_of3A] : memref<200x4096xi32, #tpu.memory_space<hbm>> -> memref<200x128xi32, #tpu.memory_space<hbm>>
      %dma_wait3A_227 = arith.constant 0 : i32
      %dma_wait3A_228 = tpu.memref_slice %arg2[%dma_wait3A_227, %multiple_of3A] : memref<200x4096xi32, #tpu.memory_space<hbm>> -> memref<200x128xi32, #tpu.memory_space<hbm>>
      tpu.wait_dma2 semaphore(%run_scoped3A : memref<!tpu.dma_semaphore, #tpu.memory_space<semaphore_mem>>) src(%dma_wait3A_228 : memref<200x128xi32, #tpu.memory_space<hbm>>) dst(%arg5 : memref<200x128xi32, #tpu.memory_space<vmem>>)
      tpu.yield
    }) : () -> ()
    %dma_start3A = arith.constant 0 : i32
    %dma_start3A_3 = arith.constant 0 : i32
    %dma_start3A_4 = arith.constant 0 : i32
    %dma_start3A_5 = arith.constant 0 : i32
    %dma_start3A_6 = tpu.memref_slice %arg6[%dma_start3A_3, %dma_start3A_4, %dma_start3A_5] : memref<4x128x64xf32, #tpu.memory_space<vmem>> -> memref<1x128x64xf32, #tpu.memory_space<vmem>>
    %dma_start3A_7 = tpu.memref_squeeze %dma_start3A_6 : memref<1x128x64xf32, #tpu.memory_space<vmem>> -> memref<128x64xf32, #tpu.memory_space<vmem>>
    %dma_start3A_8 = arith.constant 0 : i32
    %dma_start3A_9 = tpu.memref_slice %arg5[%dma_start3A, %dma_start3A_8] : memref<200x128xi32, #tpu.memory_space<vmem>> -> memref<1x128xi32, #tpu.memory_space<vmem>>
    %dma_start3A_10 = tpu.memref_squeeze %dma_start3A_9 : memref<1x128xi32, #tpu.memory_space<vmem>> -> memref<128xi32, #tpu.memory_space<vmem>>
    %dma_start3A_11 = arith.constant 0 : i32
    %dma_start3A_12 = arith.constant 0 : i32
    %dma_start3A_13 = tpu.memref_slice %arg3[%dma_start3A_11, %dma_start3A_12] : memref<1000000x64xf32, #tpu.memory_space<hbm>> -> memref<1000000x64xf32, #tpu.memory_space<hbm>>
    tpu.enqueue_indirect_dma source(%dma_start3A_13 : memref<1000000x64xf32, #tpu.memory_space<hbm>>) target(%dma_start3A_7 : memref<128x64xf32, #tpu.memory_space<vmem>>) offsets(%dma_start3A_10 : memref<128xi32, #tpu.memory_space<vmem>>) semaphore(%arg8 : memref<!tpu.dma_semaphore, #tpu.memory_space<semaphore_mem>>)
    %dma_start3A_14 = arith.constant 1 : i32
    %dma_start3A_15 = arith.constant 1 : i32
    %dma_start3A_16 = arith.constant 0 : i32
    %dma_start3A_17 = arith.constant 0 : i32
    %dma_start3A_18 = tpu.memref_slice %arg6[%dma_start3A_15, %dma_start3A_16, %dma_start3A_17] : memref<4x128x64xf32, #tpu.memory_space<vmem>> -> memref<1x128x64xf32, #tpu.memory_space<vmem>>
    %dma_start3A_19 = tpu.memref_squeeze %dma_start3A_18 : memref<1x128x64xf32, #tpu.memory_space<vmem>> -> memref<128x64xf32, #tpu.memory_space<vmem>>
    %dma_start3A_20 = arith.constant 0 : i32
    %dma_start3A_21 = tpu.memref_slice %arg5[%dma_start3A_14, %dma_start3A_20] : memref<200x128xi32, #tpu.memory_space<vmem>> -> memref<1x128xi32, #tpu.memory_space<vmem>>
    %dma_start3A_22 = tpu.memref_squeeze %dma_start3A_21 : memref<1x128xi32, #tpu.memory_space<vmem>> -> memref<128xi32, #tpu.memory_space<vmem>>
    %dma_start3A_23 = arith.constant 0 : i32
    %dma_start3A_24 = arith.constant 0 : i32
    %dma_start3A_25 = tpu.memref_slice %arg3[%dma_start3A_23, %dma_start3A_24] : memref<1000000x64xf32, #tpu.memory_space<hbm>> -> memref<1000000x64xf32, #tpu.memory_space<hbm>>
    tpu.enqueue_indirect_dma source(%dma_start3A_25 : memref<1000000x64xf32, #tpu.memory_space<hbm>>) target(%dma_start3A_19 : memref<128x64xf32, #tpu.memory_space<vmem>>) offsets(%dma_start3A_22 : memref<128xi32, #tpu.memory_space<vmem>>) semaphore(%arg9 : memref<!tpu.dma_semaphore, #tpu.memory_space<semaphore_mem>>)
    %iota3A = tpu.iota {dimensions = array<i32: 0>} : vector<16xi32>
    %jit3A = arith.constant 8 : i32
    %div3A = vector.broadcast %jit3A : i32 to vector<16xi32>
    %div3A_26 = arith.divsi %iota3A, %div3A : vector<16xi32>
    %sign3A = arith.constant 0 : i32
    %sign3A_27 = vector.broadcast %sign3A : i32 to vector<16xi32>
    %sign3A_28 = arith.cmpi sgt, %iota3A, %sign3A_27 : vector<16xi32>
    %sign3A_29 = arith.extui %sign3A_28 : vector<16xi1> to vector<16xi32>
    %sign3A_30 = arith.constant 0 : i32
    %sign3A_31 = vector.broadcast %sign3A_30 : i32 to vector<16xi32>
    %sign3A_32 = arith.cmpi slt, %iota3A, %sign3A_31 : vector<16xi32>
    %sign3A_33 = arith.extui %sign3A_32 : vector<16xi1> to vector<16xi32>
    %sign3A_34 = arith.subi %sign3A_29, %sign3A_33 : vector<16xi32>
    %sign3A_35 = arith.constant 0 : i32
    %sign3A_36 = arith.cmpi sgt, %jit3A, %sign3A_35 : i32
    %sign3A_37 = arith.extui %sign3A_36 : i1 to i32
    %sign3A_38 = arith.constant 0 : i32
    %sign3A_39 = arith.cmpi slt, %jit3A, %sign3A_38 : i32
    %sign3A_40 = arith.extui %sign3A_39 : i1 to i32
    %sign3A_41 = arith.subi %sign3A_37, %sign3A_40 : i32
    %ne3A = vector.broadcast %sign3A_41 : i32 to vector<16xi32>
    %ne3A_42 = arith.cmpi ne, %sign3A_34, %ne3A : vector<16xi32>
    %rem3A = vector.broadcast %jit3A : i32 to vector<16xi32>
    %rem3A_43 = arith.remsi %iota3A, %rem3A : vector<16xi32>
    %ne3A_44 = arith.constant 0 : i32
    %ne3A_45 = vector.broadcast %ne3A_44 : i32 to vector<16xi32>
    %ne3A_46 = arith.cmpi ne, %rem3A_43, %ne3A_45 : vector<16xi32>
    %and3A = arith.andi %ne3A_42, %ne3A_46 : vector<16xi1>
    %sub3A = arith.constant 1 : i32
    %sub3A_47 = vector.broadcast %sub3A : i32 to vector<16xi32>
    %sub3A_48 = arith.subi %div3A_26, %sub3A_47 : vector<16xi32>
    %select_n3A = arith.select %and3A, %sub3A_48, %div3A_26 : vector<16xi1>, vector<16xi32>
    %add3A_49 = arith.constant 0 : i32
    %add3A_50 = vector.broadcast %add3A_49 : i32 to vector<16xi32>
    %add3A_51 = arith.addi %add3A_50, %select_n3A : vector<16xi32>
    %jit3A_52 = arith.constant 8 : i32
    %div3A_53 = vector.broadcast %jit3A_52 : i32 to vector<16xi32>
    %div3A_54 = arith.divsi %iota3A, %div3A_53 : vector<16xi32>
    %sign3A_55 = arith.constant 0 : i32
    %sign3A_56 = vector.broadcast %sign3A_55 : i32 to vector<16xi32>
    %sign3A_57 = arith.cmpi sgt, %iota3A, %sign3A_56 : vector<16xi32>
    %sign3A_58 = arith.extui %sign3A_57 : vector<16xi1> to vector<16xi32>
    %sign3A_59 = arith.constant 0 : i32
    %sign3A_60 = vector.broadcast %sign3A_59 : i32 to vector<16xi32>
    %sign3A_61 = arith.cmpi slt, %iota3A, %sign3A_60 : vector<16xi32>
    %sign3A_62 = arith.extui %sign3A_61 : vector<16xi1> to vector<16xi32>
    %sign3A_63 = arith.subi %sign3A_58, %sign3A_62 : vector<16xi32>
    %sign3A_64 = arith.constant 0 : i32
    %sign3A_65 = arith.cmpi sgt, %jit3A_52, %sign3A_64 : i32
    %sign3A_66 = arith.extui %sign3A_65 : i1 to i32
    %sign3A_67 = arith.constant 0 : i32
    %sign3A_68 = arith.cmpi slt, %jit3A_52, %sign3A_67 : i32
    %sign3A_69 = arith.extui %sign3A_68 : i1 to i32
    %sign3A_70 = arith.subi %sign3A_66, %sign3A_69 : i32
    %ne3A_71 = vector.broadcast %sign3A_70 : i32 to vector<16xi32>
    %ne3A_72 = arith.cmpi ne, %sign3A_63, %ne3A_71 : vector<16xi32>
    %rem3A_73 = vector.broadcast %jit3A_52 : i32 to vector<16xi32>
    %rem3A_74 = arith.remsi %iota3A, %rem3A_73 : vector<16xi32>
    %ne3A_75 = arith.constant 0 : i32
    %ne3A_76 = vector.broadcast %ne3A_75 : i32 to vector<16xi32>
    %ne3A_77 = arith.cmpi ne, %rem3A_74, %ne3A_76 : vector<16xi32>
    %and3A_78 = arith.andi %ne3A_72, %ne3A_77 : vector<16xi1>
    %sub3A_79 = arith.constant 1 : i32
    %sub3A_80 = vector.broadcast %sub3A_79 : i32 to vector<16xi32>
    %sub3A_81 = arith.subi %div3A_54, %sub3A_80 : vector<16xi32>
    %select_n3A_82 = arith.select %and3A_78, %sub3A_81, %div3A_54 : vector<16xi1>, vector<16xi32>
    %add3A_83 = arith.constant 2 : i32
    %add3A_84 = vector.broadcast %add3A_83 : i32 to vector<16xi32>
    %add3A_85 = arith.addi %add3A_84, %select_n3A_82 : vector<16xi32>
    %jit3A_86 = arith.constant 8 : i32
    %div3A_87 = vector.broadcast %jit3A_86 : i32 to vector<16xi32>
    %div3A_88 = arith.divsi %iota3A, %div3A_87 : vector<16xi32>
    %sign3A_89 = arith.constant 0 : i32
    %sign3A_90 = vector.broadcast %sign3A_89 : i32 to vector<16xi32>
    %sign3A_91 = arith.cmpi sgt, %iota3A, %sign3A_90 : vector<16xi32>
    %sign3A_92 = arith.extui %sign3A_91 : vector<16xi1> to vector<16xi32>
    %sign3A_93 = arith.constant 0 : i32
    %sign3A_94 = vector.broadcast %sign3A_93 : i32 to vector<16xi32>
    %sign3A_95 = arith.cmpi slt, %iota3A, %sign3A_94 : vector<16xi32>
    %sign3A_96 = arith.extui %sign3A_95 : vector<16xi1> to vector<16xi32>
    %sign3A_97 = arith.subi %sign3A_92, %sign3A_96 : vector<16xi32>
    %sign3A_98 = arith.constant 0 : i32
    %sign3A_99 = arith.cmpi sgt, %jit3A_86, %sign3A_98 : i32
    %sign3A_100 = arith.extui %sign3A_99 : i1 to i32
    %sign3A_101 = arith.constant 0 : i32
    %sign3A_102 = arith.cmpi slt, %jit3A_86, %sign3A_101 : i32
    %sign3A_103 = arith.extui %sign3A_102 : i1 to i32
    %sign3A_104 = arith.subi %sign3A_100, %sign3A_103 : i32
    %ne3A_105 = vector.broadcast %sign3A_104 : i32 to vector<16xi32>
    %ne3A_106 = arith.cmpi ne, %sign3A_97, %ne3A_105 : vector<16xi32>
    %rem3A_107 = vector.broadcast %jit3A_86 : i32 to vector<16xi32>
    %rem3A_108 = arith.remsi %iota3A, %rem3A_107 : vector<16xi32>
    %ne3A_109 = arith.constant 0 : i32
    %ne3A_110 = vector.broadcast %ne3A_109 : i32 to vector<16xi32>
    %ne3A_111 = arith.cmpi ne, %rem3A_108, %ne3A_110 : vector<16xi32>
    %and3A_112 = arith.andi %ne3A_106, %ne3A_111 : vector<16xi1>
    %sub3A_113 = arith.constant 1 : i32
    %sub3A_114 = vector.broadcast %sub3A_113 : i32 to vector<16xi32>
    %sub3A_115 = arith.subi %div3A_88, %sub3A_114 : vector<16xi32>
    %select_n3A_116 = arith.select %and3A_112, %sub3A_115, %div3A_88 : vector<16xi1>, vector<16xi32>
    %add3A_117 = arith.constant 4 : i32
    %add3A_118 = vector.broadcast %add3A_117 : i32 to vector<16xi32>
    %add3A_119 = arith.addi %add3A_118, %select_n3A_116 : vector<16xi32>
    %jit3A_120 = arith.constant 8 : i32
    %div3A_121 = vector.broadcast %jit3A_120 : i32 to vector<16xi32>
    %div3A_122 = arith.divsi %iota3A, %div3A_121 : vector<16xi32>
    %sign3A_123 = arith.constant 0 : i32
    %sign3A_124 = vector.broadcast %sign3A_123 : i32 to vector<16xi32>
    %sign3A_125 = arith.cmpi sgt, %iota3A, %sign3A_124 : vector<16xi32>
    %sign3A_126 = arith.extui %sign3A_125 : vector<16xi1> to vector<16xi32>
    %sign3A_127 = arith.constant 0 : i32
    %sign3A_128 = vector.broadcast %sign3A_127 : i32 to vector<16xi32>
    %sign3A_129 = arith.cmpi slt, %iota3A, %sign3A_128 : vector<16xi32>
    %sign3A_130 = arith.extui %sign3A_129 : vector<16xi1> to vector<16xi32>
    %sign3A_131 = arith.subi %sign3A_126, %sign3A_130 : vector<16xi32>
    %sign3A_132 = arith.constant 0 : i32
    %sign3A_133 = arith.cmpi sgt, %jit3A_120, %sign3A_132 : i32
    %sign3A_134 = arith.extui %sign3A_133 : i1 to i32
    %sign3A_135 = arith.constant 0 : i32
    %sign3A_136 = arith.cmpi slt, %jit3A_120, %sign3A_135 : i32
    %sign3A_137 = arith.extui %sign3A_136 : i1 to i32
    %sign3A_138 = arith.subi %sign3A_134, %sign3A_137 : i32
    %ne3A_139 = vector.broadcast %sign3A_138 : i32 to vector<16xi32>
    %ne3A_140 = arith.cmpi ne, %sign3A_131, %ne3A_139 : vector<16xi32>
    %rem3A_141 = vector.broadcast %jit3A_120 : i32 to vector<16xi32>
    %rem3A_142 = arith.remsi %iota3A, %rem3A_141 : vector<16xi32>
    %ne3A_143 = arith.constant 0 : i32
    %ne3A_144 = vector.broadcast %ne3A_143 : i32 to vector<16xi32>
    %ne3A_145 = arith.cmpi ne, %rem3A_142, %ne3A_144 : vector<16xi32>
    %and3A_146 = arith.andi %ne3A_140, %ne3A_145 : vector<16xi1>
    %sub3A_147 = arith.constant 1 : i32
    %sub3A_148 = vector.broadcast %sub3A_147 : i32 to vector<16xi32>
    %sub3A_149 = arith.subi %div3A_122, %sub3A_148 : vector<16xi32>
    %select_n3A_150 = arith.select %and3A_146, %sub3A_149, %div3A_122 : vector<16xi1>, vector<16xi32>
    %add3A_151 = arith.constant 6 : i32
    %add3A_152 = vector.broadcast %add3A_151 : i32 to vector<16xi32>
    %add3A_153 = arith.addi %add3A_152, %select_n3A_150 : vector<16xi32>
    %rem3A_154 = arith.constant 8 : i32
    %rem3A_155 = vector.broadcast %rem3A_154 : i32 to vector<16xi32>
    %rem3A_156 = arith.remsi %iota3A, %rem3A_155 : vector<16xi32>
    %scan3A = arith.constant 0 : i32
    %scan3A_157 = arith.constant 0 : i32
    %scan3A_158 = arith.constant 50 : i32
    %scan3A_159 = arith.addi %scan3A_157, %scan3A_158 : i32
    %scan3A_160 = arith.constant 1 : i32
    scf.for %scan3A_221 = %scan3A_157 to %scan3A_159 step %scan3A_160  : i32 {
      %mul3A_222 = arith.constant 4 : i32
      %mul3A_223 = arith.muli %mul3A_222, %scan3A_221 : i32
      %add3A_224 = arith.constant 0 : i32
      %add3A_225 = arith.addi %mul3A_223, %add3A_224 : i32
      %ge3A = arith.constant 1 : i32
      %ge3A_226 = arith.cmpi sge, %scan3A_221, %ge3A : i32
      %convert_element_type3A = arith.extui %ge3A_226 : i1 to i32
      %cond3A = arith.constant 0 : i32
      %cond3A_227 = arith.cmpi ne, %convert_element_type3A, %cond3A : i32
      scf.if %cond3A_227 {
        %sub3A_521 = arith.constant 2 : i32
        %sub3A_522 = arith.subi %add3A_225, %sub3A_521 : i32
        %dma_wait3A_523 = arith.constant 2 : i32
        %dma_wait3A_524 = arith.constant 0 : i32
        %dma_wait3A_525 = arith.constant 0 : i32
        %dma_wait3A_526 = arith.constant 0 : i32
        %dma_wait3A_527 = tpu.memref_slice %arg7[%dma_wait3A_523, %dma_wait3A_524, %dma_wait3A_525, %dma_wait3A_526] : memref<4x8x8x133xf32, #tpu.memory_space<vmem>> -> memref<1x8x8x133xf32, #tpu.memory_space<vmem>>
        %dma_wait3A_528 = tpu.memref_squeeze %dma_wait3A_527 : memref<1x8x8x133xf32, #tpu.memory_space<vmem>> -> memref<8x8x133xf32, #tpu.memory_space<vmem>>
        %dma_wait3A_529 = arith.constant 0 : i32
        %dma_wait3A_530 = arith.constant 0 : i32
        %dma_wait3A_531 = arith.constant 0 : i32
        %dma_wait3A_532 = tpu.memref_slice %dma_wait3A_528[%dma_wait3A_529, %dma_wait3A_530, %dma_wait3A_531] : memref<8x8x133xf32, #tpu.memory_space<vmem>> -> memref<8x8x128xf32, #tpu.memory_space<vmem>>
        %dma_wait3A_533 = arith.constant 0 : i32
        %dma_wait3A_534 = arith.constant 0 : i32
        %dma_wait3A_535 = arith.constant 0 : i32
        %dma_wait3A_536 = tpu.memref_slice %arg4[%sub3A_522, %dma_wait3A_533, %add3A, %dma_wait3A_534, %dma_wait3A_535] : memref<200x8x32x8x128xf32, #tpu.memory_space<hbm>> -> memref<1x8x1x8x128xf32, #tpu.memory_space<hbm>>
        %dma_wait3A_537 = tpu.memref_squeeze %dma_wait3A_536 : memref<1x8x1x8x128xf32, #tpu.memory_space<hbm>> -> memref<8x8x128xf32, #tpu.memory_space<hbm>>
        %dma_wait3A_538 = arith.constant 0 : i32
        %dma_wait3A_539 = arith.constant 0 : i32
        %dma_wait3A_540 = arith.constant 0 : i32
        %dma_wait3A_541 = tpu.memref_slice %arg4[%sub3A_522, %dma_wait3A_538, %add3A, %dma_wait3A_539, %dma_wait3A_540] : memref<200x8x32x8x128xf32, #tpu.memory_space<hbm>> -> memref<1x8x1x8x128xf32, #tpu.memory_space<hbm>>
        %dma_wait3A_542 = tpu.memref_squeeze %dma_wait3A_541 : memref<1x8x1x8x128xf32, #tpu.memory_space<hbm>> -> memref<8x8x128xf32, #tpu.memory_space<hbm>>
        %dma_wait3A_543 = arith.constant 0 : i32
        %dma_wait3A_544 = arith.constant 0 : i32
        %dma_wait3A_545 = arith.constant 0 : i32
        %dma_wait3A_546 = tpu.memref_slice %arg7[%dma_wait3A_523, %dma_wait3A_543, %dma_wait3A_544, %dma_wait3A_545] : memref<4x8x8x133xf32, #tpu.memory_space<vmem>> -> memref<1x8x8x133xf32, #tpu.memory_space<vmem>>
        %dma_wait3A_547 = tpu.memref_squeeze %dma_wait3A_546 : memref<1x8x8x133xf32, #tpu.memory_space<vmem>> -> memref<8x8x133xf32, #tpu.memory_space<vmem>>
        %dma_wait3A_548 = arith.constant 0 : i32
        %dma_wait3A_549 = arith.constant 0 : i32
        %dma_wait3A_550 = arith.constant 0 : i32
        %dma_wait3A_551 = tpu.memref_slice %dma_wait3A_547[%dma_wait3A_548, %dma_wait3A_549, %dma_wait3A_550] : memref<8x8x133xf32, #tpu.memory_space<vmem>> -> memref<8x8x128xf32, #tpu.memory_space<vmem>>
        tpu.wait_dma2 semaphore(%arg14 : memref<!tpu.dma_semaphore, #tpu.memory_space<semaphore_mem>>) src(%dma_wait3A_551 : memref<8x8x128xf32, #tpu.memory_space<vmem>>) dst(%dma_wait3A_542 : memref<8x8x128xf32, #tpu.memory_space<hbm>>)
      } else {
      }
      %add3A_228 = arith.constant 2 : i32
      %add3A_229 = arith.addi %add3A_225, %add3A_228 : i32
      %dma_start3A_230 = arith.constant 2 : i32
      %dma_start3A_231 = arith.constant 0 : i32
      %dma_start3A_232 = arith.constant 0 : i32
      %dma_start3A_233 = tpu.memref_slice %arg6[%dma_start3A_230, %dma_start3A_231, %dma_start3A_232] : memref<4x128x64xf32, #tpu.memory_space<vmem>> -> memref<1x128x64xf32, #tpu.memory_space<vmem>>
      %dma_start3A_234 = tpu.memref_squeeze %dma_start3A_233 : memref<1x128x64xf32, #tpu.memory_space<vmem>> -> memref<128x64xf32, #tpu.memory_space<vmem>>
      %dma_start3A_235 = arith.constant 0 : i32
      %dma_start3A_236 = tpu.memref_slice %arg5[%add3A_229, %dma_start3A_235] : memref<200x128xi32, #tpu.memory_space<vmem>> -> memref<1x128xi32, #tpu.memory_space<vmem>>
      %dma_start3A_237 = tpu.memref_squeeze %dma_start3A_236 : memref<1x128xi32, #tpu.memory_space<vmem>> -> memref<128xi32, #tpu.memory_space<vmem>>
      %dma_start3A_238 = arith.constant 0 : i32
      %dma_start3A_239 = arith.constant 0 : i32
      %dma_start3A_240 = tpu.memref_slice %arg3[%dma_start3A_238, %dma_start3A_239] : memref<1000000x64xf32, #tpu.memory_space<hbm>> -> memref<1000000x64xf32, #tpu.memory_space<hbm>>
      tpu.enqueue_indirect_dma source(%dma_start3A_240 : memref<1000000x64xf32, #tpu.memory_space<hbm>>) target(%dma_start3A_234 : memref<128x64xf32, #tpu.memory_space<vmem>>) offsets(%dma_start3A_237 : memref<128xi32, #tpu.memory_space<vmem>>) semaphore(%arg10 : memref<!tpu.dma_semaphore, #tpu.memory_space<semaphore_mem>>)
      %dma_wait3A_241 = arith.constant 0 : i32
      %dma_wait3A_242 = arith.constant 0 : i32
      %dma_wait3A_243 = arith.constant 0 : i32
      %dma_wait3A_244 = tpu.memref_slice %arg6[%dma_wait3A_241, %dma_wait3A_242, %dma_wait3A_243] : memref<4x128x64xf32, #tpu.memory_space<vmem>> -> memref<1x128x64xf32, #tpu.memory_space<vmem>>
      %dma_wait3A_245 = tpu.memref_squeeze %dma_wait3A_244 : memref<1x128x64xf32, #tpu.memory_space<vmem>> -> memref<128x64xf32, #tpu.memory_space<vmem>>
      %dma_wait3A_246 = arith.constant 0 : i32
      %dma_wait3A_247 = tpu.memref_slice %arg5[%add3A_225, %dma_wait3A_246] : memref<200x128xi32, #tpu.memory_space<vmem>> -> memref<1x128xi32, #tpu.memory_space<vmem>>
      %dma_wait3A_248 = tpu.memref_squeeze %dma_wait3A_247 : memref<1x128xi32, #tpu.memory_space<vmem>> -> memref<128xi32, #tpu.memory_space<vmem>>
      %dma_wait3A_249 = arith.constant 0 : i32
      %dma_wait3A_250 = arith.constant 0 : i32
      %dma_wait3A_251 = tpu.memref_slice %arg3[%dma_wait3A_249, %dma_wait3A_250] : memref<1000000x64xf32, #tpu.memory_space<hbm>> -> memref<1000000x64xf32, #tpu.memory_space<hbm>>
      tpu.wait_indirect_dma semaphore(%arg8 : memref<!tpu.dma_semaphore, #tpu.memory_space<semaphore_mem>>) src(%dma_wait3A_251 : memref<1000000x64xf32, #tpu.memory_space<hbm>>) dst(%dma_wait3A_245 : memref<128x64xf32, #tpu.memory_space<vmem>>)
      %parallel_loop3A = arith.constant 0 : i32
      %parallel_loop3A_252 = arith.constant 128 : i32
      %parallel_loop3A_253 = arith.constant 1 : i32
      %parallel_loop3A_254 = arith.constant 0 : i32
      %parallel_loop3A_255 = arith.constant 0 : i32
      scf.for %parallel_loop3A_521 = %parallel_loop3A to %parallel_loop3A_252 step %parallel_loop3A_253  : i32 {
        %parallel_loop3A_522 = arith.constant 0 : i32
        %parallel_loop3A_523 = vector.broadcast %parallel_loop3A_522 : i32 to vector<16xi32>
        %parallel_loop3A_524 = vector.broadcast %parallel_loop3A_521 : i32 to vector<16xi32>
        %parallel_loop3A_525 = arith.addi %parallel_loop3A_523, %parallel_loop3A_524 : vector<16xi32>
        %parallel_loop3A_526 = arith.constant 0 : i32
        %parallel_loop3A_527 = arith.constant 0 : i32
        %parallel_loop3A_528 = tpu.memref_slice %arg6[%parallel_loop3A_254, %parallel_loop3A_526, %parallel_loop3A_527] : memref<4x128x64xf32, #tpu.memory_space<vmem>> -> memref<1x128x64xf32, #tpu.memory_space<vmem>>
        %parallel_loop3A_529 = tpu.memref_squeeze %parallel_loop3A_528 : memref<1x128x64xf32, #tpu.memory_space<vmem>> -> memref<128x64xf32, #tpu.memory_space<vmem>>
        %parallel_loop3A_530 = arith.index_cast %parallel_loop3A_521 : i32 to index
        %parallel_loop3A_531 = arith.constant 0 : index
        %parallel_loop3A_532 = tpu.vector_load %parallel_loop3A_529[%parallel_loop3A_530, %parallel_loop3A_531] {strides = array<i32>} : memref<128x64xf32, #tpu.memory_space<vmem>>, vector<16xf32>,
        %parallel_loop3A_533 = arith.constant 8.000000e+00 : f32
        %parallel_loop3A_534 = vector.broadcast %parallel_loop3A_533 : f32 to vector<16xf32>
        %parallel_loop3A_535 = arith.mulf %parallel_loop3A_532, %parallel_loop3A_534 : vector<16xf32>
        %parallel_loop3A_536 = arith.constant 0 : i32
        %parallel_loop3A_537 = arith.constant 0 : i32
        %parallel_loop3A_538 = arith.constant 0 : i32
        %parallel_loop3A_539 = tpu.memref_slice %arg7[%parallel_loop3A_255, %parallel_loop3A_536, %parallel_loop3A_537, %parallel_loop3A_538] : memref<4x8x8x133xf32, #tpu.memory_space<vmem>> -> memref<1x8x8x133xf32, #tpu.memory_space<vmem>>
        %parallel_loop3A_540 = tpu.memref_squeeze %parallel_loop3A_539 : memref<1x8x8x133xf32, #tpu.memory_space<vmem>> -> memref<8x8x133xf32, #tpu.memory_space<vmem>>
        tpu.vector_store_idx %parallel_loop3A_540[%add3A_51, %rem3A_156, %parallel_loop3A_525], %parallel_loop3A_535 : memref<8x8x133xf32, #tpu.memory_space<vmem>>[vector<16xi32>, vector<16xi32>, vector<16xi32>], vector<16xf32>,
        %parallel_loop3A_541 = arith.constant 0 : i32
        %parallel_loop3A_542 = arith.constant 0 : i32
        %parallel_loop3A_543 = tpu.memref_slice %arg6[%parallel_loop3A_254, %parallel_loop3A_541, %parallel_loop3A_542] : memref<4x128x64xf32, #tpu.memory_space<vmem>> -> memref<1x128x64xf32, #tpu.memory_space<vmem>>
        %parallel_loop3A_544 = tpu.memref_squeeze %parallel_loop3A_543 : memref<1x128x64xf32, #tpu.memory_space<vmem>> -> memref<128x64xf32, #tpu.memory_space<vmem>>
        %parallel_loop3A_545 = arith.index_cast %parallel_loop3A_521 : i32 to index
        %parallel_loop3A_546 = arith.constant 16 : index
        %parallel_loop3A_547 = tpu.vector_load %parallel_loop3A_544[%parallel_loop3A_545, %parallel_loop3A_546] {strides = array<i32>} : memref<128x64xf32, #tpu.memory_space<vmem>>, vector<16xf32>,
        %parallel_loop3A_548 = arith.constant 8.000000e+00 : f32
        %parallel_loop3A_549 = vector.broadcast %parallel_loop3A_548 : f32 to vector<16xf32>
        %parallel_loop3A_550 = arith.mulf %parallel_loop3A_547, %parallel_loop3A_549 : vector<16xf32>
        %parallel_loop3A_551 = arith.constant 0 : i32
        %parallel_loop3A_552 = arith.constant 0 : i32
        %parallel_loop3A_553 = arith.constant 0 : i32
        %parallel_loop3A_554 = tpu.memref_slice %arg7[%parallel_loop3A_255, %parallel_loop3A_551, %parallel_loop3A_552, %parallel_loop3A_553] : memref<4x8x8x133xf32, #tpu.memory_space<vmem>> -> memref<1x8x8x133xf32, #tpu.memory_space<vmem>>
        %parallel_loop3A_555 = tpu.memref_squeeze %parallel_loop3A_554 : memref<1x8x8x133xf32, #tpu.memory_space<vmem>> -> memref<8x8x133xf32, #tpu.memory_space<vmem>>
        tpu.vector_store_idx %parallel_loop3A_555[%add3A_85, %rem3A_156, %parallel_loop3A_525], %parallel_loop3A_550 : memref<8x8x133xf32, #tpu.memory_space<vmem>>[vector<16xi32>, vector<16xi32>, vector<16xi32>], vector<16xf32>,
        %parallel_loop3A_556 = arith.constant 0 : i32
        %parallel_loop3A_557 = arith.constant 0 : i32
        %parallel_loop3A_558 = tpu.memref_slice %arg6[%parallel_loop3A_254, %parallel_loop3A_556, %parallel_loop3A_557] : memref<4x128x64xf32, #tpu.memory_space<vmem>> -> memref<1x128x64xf32, #tpu.memory_space<vmem>>
        %parallel_loop3A_559 = tpu.memref_squeeze %parallel_loop3A_558 : memref<1x128x64xf32, #tpu.memory_space<vmem>> -> memref<128x64xf32, #tpu.memory_space<vmem>>
        %parallel_loop3A_560 = arith.index_cast %parallel_loop3A_521 : i32 to index
        %parallel_loop3A_561 = arith.constant 32 : index
        %parallel_loop3A_562 = tpu.vector_load %parallel_loop3A_559[%parallel_loop3A_560, %parallel_loop3A_561] {strides = array<i32>} : memref<128x64xf32, #tpu.memory_space<vmem>>, vector<16xf32>,
        %parallel_loop3A_563 = arith.constant 8.000000e+00 : f32
        %parallel_loop3A_564 = vector.broadcast %parallel_loop3A_563 : f32 to vector<16xf32>
        %parallel_loop3A_565 = arith.mulf %parallel_loop3A_562, %parallel_loop3A_564 : vector<16xf32>
        %parallel_loop3A_566 = arith.constant 0 : i32
        %parallel_loop3A_567 = arith.constant 0 : i32
        %parallel_loop3A_568 = arith.constant 0 : i32
        %parallel_loop3A_569 = tpu.memref_slice %arg7[%parallel_loop3A_255, %parallel_loop3A_566, %parallel_loop3A_567, %parallel_loop3A_568] : memref<4x8x8x133xf32, #tpu.memory_space<vmem>> -> memref<1x8x8x133xf32, #tpu.memory_space<vmem>>
        %parallel_loop3A_570 = tpu.memref_squeeze %parallel_loop3A_569 : memref<1x8x8x133xf32, #tpu.memory_space<vmem>> -> memref<8x8x133xf32, #tpu.memory_space<vmem>>
        tpu.vector_store_idx %parallel_loop3A_570[%add3A_119, %rem3A_156, %parallel_loop3A_525], %parallel_loop3A_565 : memref<8x8x133xf32, #tpu.memory_space<vmem>>[vector<16xi32>, vector<16xi32>, vector<16xi32>], vector<16xf32>,
        %parallel_loop3A_571 = arith.constant 0 : i32
        %parallel_loop3A_572 = arith.constant 0 : i32
        %parallel_loop3A_573 = tpu.memref_slice %arg6[%parallel_loop3A_254, %parallel_loop3A_571, %parallel_loop3A_572] : memref<4x128x64xf32, #tpu.memory_space<vmem>> -> memref<1x128x64xf32, #tpu.memory_space<vmem>>
        %parallel_loop3A_574 = tpu.memref_squeeze %parallel_loop3A_573 : memref<1x128x64xf32, #tpu.memory_space<vmem>> -> memref<128x64xf32, #tpu.memory_space<vmem>>
        %parallel_loop3A_575 = arith.index_cast %parallel_loop3A_521 : i32 to index
        %parallel_loop3A_576 = arith.constant 48 : index
        %parallel_loop3A_577 = tpu.vector_load %parallel_loop3A_574[%parallel_loop3A_575, %parallel_loop3A_576] {strides = array<i32>} : memref<128x64xf32, #tpu.memory_space<vmem>>, vector<16xf32>,
        %parallel_loop3A_578 = arith.constant 8.000000e+00 : f32
        %parallel_loop3A_579 = vector.broadcast %parallel_loop3A_578 : f32 to vector<16xf32>
        %parallel_loop3A_580 = arith.mulf %parallel_loop3A_577, %parallel_loop3A_579 : vector<16xf32>
        %parallel_loop3A_581 = arith.constant 0 : i32
        %parallel_loop3A_582 = arith.constant 0 : i32
        %parallel_loop3A_583 = arith.constant 0 : i32
        %parallel_loop3A_584 = tpu.memref_slice %arg7[%parallel_loop3A_255, %parallel_loop3A_581, %parallel_loop3A_582, %parallel_loop3A_583] : memref<4x8x8x133xf32, #tpu.memory_space<vmem>> -> memref<1x8x8x133xf32, #tpu.memory_space<vmem>>
        %parallel_loop3A_585 = tpu.memref_squeeze %parallel_loop3A_584 : memref<1x8x8x133xf32, #tpu.memory_space<vmem>> -> memref<8x8x133xf32, #tpu.memory_space<vmem>>
        tpu.vector_store_idx %parallel_loop3A_585[%add3A_153, %rem3A_156, %parallel_loop3A_525], %parallel_loop3A_580 : memref<8x8x133xf32, #tpu.memory_space<vmem>>[vector<16xi32>, vector<16xi32>, vector<16xi32>], vector<16xf32>,
      } {sc.loop_unroll_factor = 4 : i64, sc.parallel_access}
      %dma_start3A_256 = arith.constant 0 : i32
      %dma_start3A_257 = arith.constant 0 : i32
      %dma_start3A_258 = arith.constant 0 : i32
      %dma_start3A_259 = arith.constant 0 : i32
      %dma_start3A_260 = tpu.memref_slice %arg7[%dma_start3A_256, %dma_start3A_257, %dma_start3A_258, %dma_start3A_259] : memref<4x8x8x133xf32, #tpu.memory_space<vmem>> -> memref<1x8x8x133xf32, #tpu.memory_space<vmem>>
      %dma_start3A_261 = tpu.memref_squeeze %dma_start3A_260 : memref<1x8x8x133xf32, #tpu.memory_space<vmem>> -> memref<8x8x133xf32, #tpu.memory_space<vmem>>
      %dma_start3A_262 = arith.constant 0 : i32
      %dma_start3A_263 = arith.constant 0 : i32
      %dma_start3A_264 = arith.constant 0 : i32
      %dma_start3A_265 = tpu.memref_slice %dma_start3A_261[%dma_start3A_262, %dma_start3A_263, %dma_start3A_264] : memref<8x8x133xf32, #tpu.memory_space<vmem>> -> memref<8x8x128xf32, #tpu.memory_space<vmem>>
      %dma_start3A_266 = arith.constant 0 : i32
      %dma_start3A_267 = arith.constant 0 : i32
      %dma_start3A_268 = arith.constant 0 : i32
      %dma_start3A_269 = tpu.memref_slice %arg4[%add3A_225, %dma_start3A_266, %add3A, %dma_start3A_267, %dma_start3A_268] : memref<200x8x32x8x128xf32, #tpu.memory_space<hbm>> -> memref<1x8x1x8x128xf32, #tpu.memory_space<hbm>>
      %dma_start3A_270 = tpu.memref_squeeze %dma_start3A_269 : memref<1x8x1x8x128xf32, #tpu.memory_space<hbm>> -> memref<8x8x128xf32, #tpu.memory_space<hbm>>
      %dma_start3A_271 = arith.constant 0 : i32
      %dma_start3A_272 = arith.constant 0 : i32
      %dma_start3A_273 = arith.constant 0 : i32
      %dma_start3A_274 = tpu.memref_slice %arg4[%add3A_225, %dma_start3A_271, %add3A, %dma_start3A_272, %dma_start3A_273] : memref<200x8x32x8x128xf32, #tpu.memory_space<hbm>> -> memref<1x8x1x8x128xf32, #tpu.memory_space<hbm>>
      %dma_start3A_275 = tpu.memref_squeeze %dma_start3A_274 : memref<1x8x1x8x128xf32, #tpu.memory_space<hbm>> -> memref<8x8x128xf32, #tpu.memory_space<hbm>>
      %dma_start3A_276 = arith.constant 0 : i32
      %dma_start3A_277 = arith.constant 0 : i32
      %dma_start3A_278 = arith.constant 0 : i32
      %dma_start3A_279 = tpu.memref_slice %arg7[%dma_start3A_256, %dma_start3A_276, %dma_start3A_277, %dma_start3A_278] : memref<4x8x8x133xf32, #tpu.memory_space<vmem>> -> memref<1x8x8x133xf32, #tpu.memory_space<vmem>>
      %dma_start3A_280 = tpu.memref_squeeze %dma_start3A_279 : memref<1x8x8x133xf32, #tpu.memory_space<vmem>> -> memref<8x8x133xf32, #tpu.memory_space<vmem>>
      %dma_start3A_281 = arith.constant 0 : i32
      %dma_start3A_282 = arith.constant 0 : i32
      %dma_start3A_283 = arith.constant 0 : i32
      %dma_start3A_284 = tpu.memref_slice %dma_start3A_280[%dma_start3A_281, %dma_start3A_282, %dma_start3A_283] : memref<8x8x133xf32, #tpu.memory_space<vmem>> -> memref<8x8x128xf32, #tpu.memory_space<vmem>>
      tpu.enqueue_dma source(%dma_start3A_284 : memref<8x8x128xf32, #tpu.memory_space<vmem>>) target(%dma_start3A_275 : memref<8x8x128xf32, #tpu.memory_space<hbm>>) target_semaphore(%arg12 : memref<!tpu.dma_semaphore, #tpu.memory_space<semaphore_mem>>)
      %mul3A_285 = arith.constant 4 : i32
      %mul3A_286 = arith.muli %mul3A_285, %scan3A_221 : i32
      %add3A_287 = arith.constant 1 : i32
      %add3A_288 = arith.addi %mul3A_286, %add3A_287 : i32
      %ge3A_289 = arith.constant 1 : i32
      %ge3A_290 = arith.cmpi sge, %scan3A_221, %ge3A_289 : i32
      %convert_element_type3A_291 = arith.extui %ge3A_290 : i1 to i32
      %cond3A_292 = arith.constant 0 : i32
      %cond3A_293 = arith.cmpi ne, %convert_element_type3A_291, %cond3A_292 : i32
      scf.if %cond3A_293 {
        %sub3A_521 = arith.constant 2 : i32
        %sub3A_522 = arith.subi %add3A_288, %sub3A_521 : i32
        %dma_wait3A_523 = arith.constant 3 : i32
        %dma_wait3A_524 = arith.constant 0 : i32
        %dma_wait3A_525 = arith.constant 0 : i32
        %dma_wait3A_526 = arith.constant 0 : i32
        %dma_wait3A_527 = tpu.memref_slice %arg7[%dma_wait3A_523, %dma_wait3A_524, %dma_wait3A_525, %dma_wait3A_526] : memref<4x8x8x133xf32, #tpu.memory_space<vmem>> -> memref<1x8x8x133xf32, #tpu.memory_space<vmem>>
        %dma_wait3A_528 = tpu.memref_squeeze %dma_wait3A_527 : memref<1x8x8x133xf32, #tpu.memory_space<vmem>> -> memref<8x8x133xf32, #tpu.memory_space<vmem>>
        %dma_wait3A_529 = arith.constant 0 : i32
        %dma_wait3A_530 = arith.constant 0 : i32
        %dma_wait3A_531 = arith.constant 0 : i32
        %dma_wait3A_532 = tpu.memref_slice %dma_wait3A_528[%dma_wait3A_529, %dma_wait3A_530, %dma_wait3A_531] : memref<8x8x133xf32, #tpu.memory_space<vmem>> -> memref<8x8x128xf32, #tpu.memory_space<vmem>>
        %dma_wait3A_533 = arith.constant 0 : i32
        %dma_wait3A_534 = arith.constant 0 : i32
        %dma_wait3A_535 = arith.constant 0 : i32
        %dma_wait3A_536 = tpu.memref_slice %arg4[%sub3A_522, %dma_wait3A_533, %add3A, %dma_wait3A_534, %dma_wait3A_535] : memref<200x8x32x8x128xf32, #tpu.memory_space<hbm>> -> memref<1x8x1x8x128xf32, #tpu.memory_space<hbm>>
        %dma_wait3A_537 = tpu.memref_squeeze %dma_wait3A_536 : memref<1x8x1x8x128xf32, #tpu.memory_space<hbm>> -> memref<8x8x128xf32, #tpu.memory_space<hbm>>
        %dma_wait3A_538 = arith.constant 0 : i32
        %dma_wait3A_539 = arith.constant 0 : i32
        %dma_wait3A_540 = arith.constant 0 : i32
        %dma_wait3A_541 = tpu.memref_slice %arg4[%sub3A_522, %dma_wait3A_538, %add3A, %dma_wait3A_539, %dma_wait3A_540] : memref<200x8x32x8x128xf32, #tpu.memory_space<hbm>> -> memref<1x8x1x8x128xf32, #tpu.memory_space<hbm>>
        %dma_wait3A_542 = tpu.memref_squeeze %dma_wait3A_541 : memref<1x8x1x8x128xf32, #tpu.memory_space<hbm>> -> memref<8x8x128xf32, #tpu.memory_space<hbm>>
        %dma_wait3A_543 = arith.constant 0 : i32
        %dma_wait3A_544 = arith.constant 0 : i32
        %dma_wait3A_545 = arith.constant 0 : i32
        %dma_wait3A_546 = tpu.memref_slice %arg7[%dma_wait3A_523, %dma_wait3A_543, %dma_wait3A_544, %dma_wait3A_545] : memref<4x8x8x133xf32, #tpu.memory_space<vmem>> -> memref<1x8x8x133xf32, #tpu.memory_space<vmem>>
        %dma_wait3A_547 = tpu.memref_squeeze %dma_wait3A_546 : memref<1x8x8x133xf32, #tpu.memory_space<vmem>> -> memref<8x8x133xf32, #tpu.memory_space<vmem>>
        %dma_wait3A_548 = arith.constant 0 : i32
        %dma_wait3A_549 = arith.constant 0 : i32
        %dma_wait3A_550 = arith.constant 0 : i32
        %dma_wait3A_551 = tpu.memref_slice %dma_wait3A_547[%dma_wait3A_548, %dma_wait3A_549, %dma_wait3A_550] : memref<8x8x133xf32, #tpu.memory_space<vmem>> -> memref<8x8x128xf32, #tpu.memory_space<vmem>>
        tpu.wait_dma2 semaphore(%arg15 : memref<!tpu.dma_semaphore, #tpu.memory_space<semaphore_mem>>) src(%dma_wait3A_551 : memref<8x8x128xf32, #tpu.memory_space<vmem>>) dst(%dma_wait3A_542 : memref<8x8x128xf32, #tpu.memory_space<hbm>>)
      } else {
      }
      %add3A_294 = arith.constant 2 : i32
      %add3A_295 = arith.addi %add3A_288, %add3A_294 : i32
      %dma_start3A_296 = arith.constant 3 : i32
      %dma_start3A_297 = arith.constant 0 : i32
      %dma_start3A_298 = arith.constant 0 : i32
      %dma_start3A_299 = tpu.memref_slice %arg6[%dma_start3A_296, %dma_start3A_297, %dma_start3A_298] : memref<4x128x64xf32, #tpu.memory_space<vmem>> -> memref<1x128x64xf32, #tpu.memory_space<vmem>>
      %dma_start3A_300 = tpu.memref_squeeze %dma_start3A_299 : memref<1x128x64xf32, #tpu.memory_space<vmem>> -> memref<128x64xf32, #tpu.memory_space<vmem>>
      %dma_start3A_301 = arith.constant 0 : i32
      %dma_start3A_302 = tpu.memref_slice %arg5[%add3A_295, %dma_start3A_301] : memref<200x128xi32, #tpu.memory_space<vmem>> -> memref<1x128xi32, #tpu.memory_space<vmem>>
      %dma_start3A_303 = tpu.memref_squeeze %dma_start3A_302 : memref<1x128xi32, #tpu.memory_space<vmem>> -> memref<128xi32, #tpu.memory_space<vmem>>
      %dma_start3A_304 = arith.constant 0 : i32
      %dma_start3A_305 = arith.constant 0 : i32
      %dma_start3A_306 = tpu.memref_slice %arg3[%dma_start3A_304, %dma_start3A_305] : memref<1000000x64xf32, #tpu.memory_space<hbm>> -> memref<1000000x64xf32, #tpu.memory_space<hbm>>
      tpu.enqueue_indirect_dma source(%dma_start3A_306 : memref<1000000x64xf32, #tpu.memory_space<hbm>>) target(%dma_start3A_300 : memref<128x64xf32, #tpu.memory_space<vmem>>) offsets(%dma_start3A_303 : memref<128xi32, #tpu.memory_space<vmem>>) semaphore(%arg11 : memref<!tpu.dma_semaphore, #tpu.memory_space<semaphore_mem>>)
      %dma_wait3A_307 = arith.constant 1 : i32
      %dma_wait3A_308 = arith.constant 0 : i32
      %dma_wait3A_309 = arith.constant 0 : i32
      %dma_wait3A_310 = tpu.memref_slice %arg6[%dma_wait3A_307, %dma_wait3A_308, %dma_wait3A_309] : memref<4x128x64xf32, #tpu.memory_space<vmem>> -> memref<1x128x64xf32, #tpu.memory_space<vmem>>
      %dma_wait3A_311 = tpu.memref_squeeze %dma_wait3A_310 : memref<1x128x64xf32, #tpu.memory_space<vmem>> -> memref<128x64xf32, #tpu.memory_space<vmem>>
      %dma_wait3A_312 = arith.constant 0 : i32
      %dma_wait3A_313 = tpu.memref_slice %arg5[%add3A_288, %dma_wait3A_312] : memref<200x128xi32, #tpu.memory_space<vmem>> -> memref<1x128xi32, #tpu.memory_space<vmem>>
      %dma_wait3A_314 = tpu.memref_squeeze %dma_wait3A_313 : memref<1x128xi32, #tpu.memory_space<vmem>> -> memref<128xi32, #tpu.memory_space<vmem>>
      %dma_wait3A_315 = arith.constant 0 : i32
      %dma_wait3A_316 = arith.constant 0 : i32
      %dma_wait3A_317 = tpu.memref_slice %arg3[%dma_wait3A_315, %dma_wait3A_316] : memref<1000000x64xf32, #tpu.memory_space<hbm>> -> memref<1000000x64xf32, #tpu.memory_space<hbm>>
      tpu.wait_indirect_dma semaphore(%arg9 : memref<!tpu.dma_semaphore, #tpu.memory_space<semaphore_mem>>) src(%dma_wait3A_317 : memref<1000000x64xf32, #tpu.memory_space<hbm>>) dst(%dma_wait3A_311 : memref<128x64xf32, #tpu.memory_space<vmem>>)
      %parallel_loop3A_318 = arith.constant 0 : i32
      %parallel_loop3A_319 = arith.constant 128 : i32
      %parallel_loop3A_320 = arith.constant 1 : i32
      %parallel_loop3A_321 = arith.constant 1 : i32
      %parallel_loop3A_322 = arith.constant 1 : i32
      scf.for %parallel_loop3A_521 = %parallel_loop3A_318 to %parallel_loop3A_319 step %parallel_loop3A_320  : i32 {
        %parallel_loop3A_522 = arith.constant 0 : i32
        %parallel_loop3A_523 = vector.broadcast %parallel_loop3A_522 : i32 to vector<16xi32>
        %parallel_loop3A_524 = vector.broadcast %parallel_loop3A_521 : i32 to vector<16xi32>
        %parallel_loop3A_525 = arith.addi %parallel_loop3A_523, %parallel_loop3A_524 : vector<16xi32>
        %parallel_loop3A_526 = arith.constant 0 : i32
        %parallel_loop3A_527 = arith.constant 0 : i32
        %parallel_loop3A_528 = tpu.memref_slice %arg6[%parallel_loop3A_321, %parallel_loop3A_526, %parallel_loop3A_527] : memref<4x128x64xf32, #tpu.memory_space<vmem>> -> memref<1x128x64xf32, #tpu.memory_space<vmem>>
        %parallel_loop3A_529 = tpu.memref_squeeze %parallel_loop3A_528 : memref<1x128x64xf32, #tpu.memory_space<vmem>> -> memref<128x64xf32, #tpu.memory_space<vmem>>
        %parallel_loop3A_530 = arith.index_cast %parallel_loop3A_521 : i32 to index
        %parallel_loop3A_531 = arith.constant 0 : index
        %parallel_loop3A_532 = tpu.vector_load %parallel_loop3A_529[%parallel_loop3A_530, %parallel_loop3A_531] {strides = array<i32>} : memref<128x64xf32, #tpu.memory_space<vmem>>, vector<16xf32>,
        %parallel_loop3A_533 = arith.constant 8.000000e+00 : f32
        %parallel_loop3A_534 = vector.broadcast %parallel_loop3A_533 : f32 to vector<16xf32>
        %parallel_loop3A_535 = arith.mulf %parallel_loop3A_532, %parallel_loop3A_534 : vector<16xf32>
        %parallel_loop3A_536 = arith.constant 0 : i32
        %parallel_loop3A_537 = arith.constant 0 : i32
        %parallel_loop3A_538 = arith.constant 0 : i32
        %parallel_loop3A_539 = tpu.memref_slice %arg7[%parallel_loop3A_322, %parallel_loop3A_536, %parallel_loop3A_537, %parallel_loop3A_538] : memref<4x8x8x133xf32, #tpu.memory_space<vmem>> -> memref<1x8x8x133xf32, #tpu.memory_space<vmem>>
        %parallel_loop3A_540 = tpu.memref_squeeze %parallel_loop3A_539 : memref<1x8x8x133xf32, #tpu.memory_space<vmem>> -> memref<8x8x133xf32, #tpu.memory_space<vmem>>
        tpu.vector_store_idx %parallel_loop3A_540[%add3A_51, %rem3A_156, %parallel_loop3A_525], %parallel_loop3A_535 : memref<8x8x133xf32, #tpu.memory_space<vmem>>[vector<16xi32>, vector<16xi32>, vector<16xi32>], vector<16xf32>,
        %parallel_loop3A_541 = arith.constant 0 : i32
        %parallel_loop3A_542 = arith.constant 0 : i32
        %parallel_loop3A_543 = tpu.memref_slice %arg6[%parallel_loop3A_321, %parallel_loop3A_541, %parallel_loop3A_542] : memref<4x128x64xf32, #tpu.memory_space<vmem>> -> memref<1x128x64xf32, #tpu.memory_space<vmem>>
        %parallel_loop3A_544 = tpu.memref_squeeze %parallel_loop3A_543 : memref<1x128x64xf32, #tpu.memory_space<vmem>> -> memref<128x64xf32, #tpu.memory_space<vmem>>
        %parallel_loop3A_545 = arith.index_cast %parallel_loop3A_521 : i32 to index
        %parallel_loop3A_546 = arith.constant 16 : index
        %parallel_loop3A_547 = tpu.vector_load %parallel_loop3A_544[%parallel_loop3A_545, %parallel_loop3A_546] {strides = array<i32>} : memref<128x64xf32, #tpu.memory_space<vmem>>, vector<16xf32>,
        %parallel_loop3A_548 = arith.constant 8.000000e+00 : f32
        %parallel_loop3A_549 = vector.broadcast %parallel_loop3A_548 : f32 to vector<16xf32>
        %parallel_loop3A_550 = arith.mulf %parallel_loop3A_547, %parallel_loop3A_549 : vector<16xf32>
        %parallel_loop3A_551 = arith.constant 0 : i32
        %parallel_loop3A_552 = arith.constant 0 : i32
        %parallel_loop3A_553 = arith.constant 0 : i32
        %parallel_loop3A_554 = tpu.memref_slice %arg7[%parallel_loop3A_322, %parallel_loop3A_551, %parallel_loop3A_552, %parallel_loop3A_553] : memref<4x8x8x133xf32, #tpu.memory_space<vmem>> -> memref<1x8x8x133xf32, #tpu.memory_space<vmem>>
        %parallel_loop3A_555 = tpu.memref_squeeze %parallel_loop3A_554 : memref<1x8x8x133xf32, #tpu.memory_space<vmem>> -> memref<8x8x133xf32, #tpu.memory_space<vmem>>
        tpu.vector_store_idx %parallel_loop3A_555[%add3A_85, %rem3A_156, %parallel_loop3A_525], %parallel_loop3A_550 : memref<8x8x133xf32, #tpu.memory_space<vmem>>[vector<16xi32>, vector<16xi32>, vector<16xi32>], vector<16xf32>,
        %parallel_loop3A_556 = arith.constant 0 : i32
        %parallel_loop3A_557 = arith.constant 0 : i32
        %parallel_loop3A_558 = tpu.memref_slice %arg6[%parallel_loop3A_321, %parallel_loop3A_556, %parallel_loop3A_557] : memref<4x128x64xf32, #tpu.memory_space<vmem>> -> memref<1x128x64xf32, #tpu.memory_space<vmem>>
        %parallel_loop3A_559 = tpu.memref_squeeze %parallel_loop3A_558 : memref<1x128x64xf32, #tpu.memory_space<vmem>> -> memref<128x64xf32, #tpu.memory_space<vmem>>
        %parallel_loop3A_560 = arith.index_cast %parallel_loop3A_521 : i32 to index
        %parallel_loop3A_561 = arith.constant 32 : index
        %parallel_loop3A_562 = tpu.vector_load %parallel_loop3A_559[%parallel_loop3A_560, %parallel_loop3A_561] {strides = array<i32>} : memref<128x64xf32, #tpu.memory_space<vmem>>, vector<16xf32>,
        %parallel_loop3A_563 = arith.constant 8.000000e+00 : f32
        %parallel_loop3A_564 = vector.broadcast %parallel_loop3A_563 : f32 to vector<16xf32>
        %parallel_loop3A_565 = arith.mulf %parallel_loop3A_562, %parallel_loop3A_564 : vector<16xf32>
        %parallel_loop3A_566 = arith.constant 0 : i32
        %parallel_loop3A_567 = arith.constant 0 : i32
        %parallel_loop3A_568 = arith.constant 0 : i32
        %parallel_loop3A_569 = tpu.memref_slice %arg7[%parallel_loop3A_322, %parallel_loop3A_566, %parallel_loop3A_567, %parallel_loop3A_568] : memref<4x8x8x133xf32, #tpu.memory_space<vmem>> -> memref<1x8x8x133xf32, #tpu.memory_space<vmem>>
        %parallel_loop3A_570 = tpu.memref_squeeze %parallel_loop3A_569 : memref<1x8x8x133xf32, #tpu.memory_space<vmem>> -> memref<8x8x133xf32, #tpu.memory_space<vmem>>
        tpu.vector_store_idx %parallel_loop3A_570[%add3A_119, %rem3A_156, %parallel_loop3A_525], %parallel_loop3A_565 : memref<8x8x133xf32, #tpu.memory_space<vmem>>[vector<16xi32>, vector<16xi32>, vector<16xi32>], vector<16xf32>,
        %parallel_loop3A_571 = arith.constant 0 : i32
        %parallel_loop3A_572 = arith.constant 0 : i32
        %parallel_loop3A_573 = tpu.memref_slice %arg6[%parallel_loop3A_321, %parallel_loop3A_571, %parallel_loop3A_572] : memref<4x128x64xf32, #tpu.memory_space<vmem>> -> memref<1x128x64xf32, #tpu.memory_space<vmem>>
        %parallel_loop3A_574 = tpu.memref_squeeze %parallel_loop3A_573 : memref<1x128x64xf32, #tpu.memory_space<vmem>> -> memref<128x64xf32, #tpu.memory_space<vmem>>
        %parallel_loop3A_575 = arith.index_cast %parallel_loop3A_521 : i32 to index
        %parallel_loop3A_576 = arith.constant 48 : index
        %parallel_loop3A_577 = tpu.vector_load %parallel_loop3A_574[%parallel_loop3A_575, %parallel_loop3A_576] {strides = array<i32>} : memref<128x64xf32, #tpu.memory_space<vmem>>, vector<16xf32>,
        %parallel_loop3A_578 = arith.constant 8.000000e+00 : f32
        %parallel_loop3A_579 = vector.broadcast %parallel_loop3A_578 : f32 to vector<16xf32>
        %parallel_loop3A_580 = arith.mulf %parallel_loop3A_577, %parallel_loop3A_579 : vector<16xf32>
        %parallel_loop3A_581 = arith.constant 0 : i32
        %parallel_loop3A_582 = arith.constant 0 : i32
        %parallel_loop3A_583 = arith.constant 0 : i32
        %parallel_loop3A_584 = tpu.memref_slice %arg7[%parallel_loop3A_322, %parallel_loop3A_581, %parallel_loop3A_582, %parallel_loop3A_583] : memref<4x8x8x133xf32, #tpu.memory_space<vmem>> -> memref<1x8x8x133xf32, #tpu.memory_space<vmem>>
        %parallel_loop3A_585 = tpu.memref_squeeze %parallel_loop3A_584 : memref<1x8x8x133xf32, #tpu.memory_space<vmem>> -> memref<8x8x133xf32, #tpu.memory_space<vmem>>
        tpu.vector_store_idx %parallel_loop3A_585[%add3A_153, %rem3A_156, %parallel_loop3A_525], %parallel_loop3A_580 : memref<8x8x133xf32, #tpu.memory_space<vmem>>[vector<16xi32>, vector<16xi32>, vector<16xi32>], vector<16xf32>,
      } {sc.loop_unroll_factor = 4 : i64, sc.parallel_access}
      %dma_start3A_323 = arith.constant 1 : i32
      %dma_start3A_324 = arith.constant 0 : i32
      %dma_start3A_325 = arith.constant 0 : i32
      %dma_start3A_326 = arith.constant 0 : i32
      %dma_start3A_327 = tpu.memref_slice %arg7[%dma_start3A_323, %dma_start3A_324, %dma_start3A_325, %dma_start3A_326] : memref<4x8x8x133xf32, #tpu.memory_space<vmem>> -> memref<1x8x8x133xf32, #tpu.memory_space<vmem>>
      %dma_start3A_328 = tpu.memref_squeeze %dma_start3A_327 : memref<1x8x8x133xf32, #tpu.memory_space<vmem>> -> memref<8x8x133xf32, #tpu.memory_space<vmem>>
      %dma_start3A_329 = arith.constant 0 : i32
      %dma_start3A_330 = arith.constant 0 : i32
      %dma_start3A_331 = arith.constant 0 : i32
      %dma_start3A_332 = tpu.memref_slice %dma_start3A_328[%dma_start3A_329, %dma_start3A_330, %dma_start3A_331] : memref<8x8x133xf32, #tpu.memory_space<vmem>> -> memref<8x8x128xf32, #tpu.memory_space<vmem>>
      %dma_start3A_333 = arith.constant 0 : i32
      %dma_start3A_334 = arith.constant 0 : i32
      %dma_start3A_335 = arith.constant 0 : i32
      %dma_start3A_336 = tpu.memref_slice %arg4[%add3A_288, %dma_start3A_333, %add3A, %dma_start3A_334, %dma_start3A_335] : memref<200x8x32x8x128xf32, #tpu.memory_space<hbm>> -> memref<1x8x1x8x128xf32, #tpu.memory_space<hbm>>
      %dma_start3A_337 = tpu.memref_squeeze %dma_start3A_336 : memref<1x8x1x8x128xf32, #tpu.memory_space<hbm>> -> memref<8x8x128xf32, #tpu.memory_space<hbm>>
      %dma_start3A_338 = arith.constant 0 : i32
      %dma_start3A_339 = arith.constant 0 : i32
      %dma_start3A_340 = arith.constant 0 : i32
      %dma_start3A_341 = tpu.memref_slice %arg4[%add3A_288, %dma_start3A_338, %add3A, %dma_start3A_339, %dma_start3A_340] : memref<200x8x32x8x128xf32, #tpu.memory_space<hbm>> -> memref<1x8x1x8x128xf32, #tpu.memory_space<hbm>>
      %dma_start3A_342 = tpu.memref_squeeze %dma_start3A_341 : memref<1x8x1x8x128xf32, #tpu.memory_space<hbm>> -> memref<8x8x128xf32, #tpu.memory_space<hbm>>
      %dma_start3A_343 = arith.constant 0 : i32
      %dma_start3A_344 = arith.constant 0 : i32
      %dma_start3A_345 = arith.constant 0 : i32
      %dma_start3A_346 = tpu.memref_slice %arg7[%dma_start3A_323, %dma_start3A_343, %dma_start3A_344, %dma_start3A_345] : memref<4x8x8x133xf32, #tpu.memory_space<vmem>> -> memref<1x8x8x133xf32, #tpu.memory_space<vmem>>
      %dma_start3A_347 = tpu.memref_squeeze %dma_start3A_346 : memref<1x8x8x133xf32, #tpu.memory_space<vmem>> -> memref<8x8x133xf32, #tpu.memory_space<vmem>>
      %dma_start3A_348 = arith.constant 0 : i32
      %dma_start3A_349 = arith.constant 0 : i32
      %dma_start3A_350 = arith.constant 0 : i32
      %dma_start3A_351 = tpu.memref_slice %dma_start3A_347[%dma_start3A_348, %dma_start3A_349, %dma_start3A_350] : memref<8x8x133xf32, #tpu.memory_space<vmem>> -> memref<8x8x128xf32, #tpu.memory_space<vmem>>
      tpu.enqueue_dma source(%dma_start3A_351 : memref<8x8x128xf32, #tpu.memory_space<vmem>>) target(%dma_start3A_342 : memref<8x8x128xf32, #tpu.memory_space<hbm>>) target_semaphore(%arg13 : memref<!tpu.dma_semaphore, #tpu.memory_space<semaphore_mem>>)
      %mul3A_352 = arith.constant 4 : i32
      %mul3A_353 = arith.muli %mul3A_352, %scan3A_221 : i32
      %add3A_354 = arith.constant 2 : i32
      %add3A_355 = arith.addi %mul3A_353, %add3A_354 : i32
      %sub3A_356 = arith.constant 2 : i32
      %sub3A_357 = arith.subi %add3A_355, %sub3A_356 : i32
      %dma_wait3A_358 = arith.constant 0 : i32
      %dma_wait3A_359 = arith.constant 0 : i32
      %dma_wait3A_360 = arith.constant 0 : i32
      %dma_wait3A_361 = arith.constant 0 : i32
      %dma_wait3A_362 = tpu.memref_slice %arg7[%dma_wait3A_358, %dma_wait3A_359, %dma_wait3A_360, %dma_wait3A_361] : memref<4x8x8x133xf32, #tpu.memory_space<vmem>> -> memref<1x8x8x133xf32, #tpu.memory_space<vmem>>
      %dma_wait3A_363 = tpu.memref_squeeze %dma_wait3A_362 : memref<1x8x8x133xf32, #tpu.memory_space<vmem>> -> memref<8x8x133xf32, #tpu.memory_space<vmem>>
      %dma_wait3A_364 = arith.constant 0 : i32
      %dma_wait3A_365 = arith.constant 0 : i32
      %dma_wait3A_366 = arith.constant 0 : i32
      %dma_wait3A_367 = tpu.memref_slice %dma_wait3A_363[%dma_wait3A_364, %dma_wait3A_365, %dma_wait3A_366] : memref<8x8x133xf32, #tpu.memory_space<vmem>> -> memref<8x8x128xf32, #tpu.memory_space<vmem>>
      %dma_wait3A_368 = arith.constant 0 : i32
      %dma_wait3A_369 = arith.constant 0 : i32
      %dma_wait3A_370 = arith.constant 0 : i32
      %dma_wait3A_371 = tpu.memref_slice %arg4[%sub3A_357, %dma_wait3A_368, %add3A, %dma_wait3A_369, %dma_wait3A_370] : memref<200x8x32x8x128xf32, #tpu.memory_space<hbm>> -> memref<1x8x1x8x128xf32, #tpu.memory_space<hbm>>
      %dma_wait3A_372 = tpu.memref_squeeze %dma_wait3A_371 : memref<1x8x1x8x128xf32, #tpu.memory_space<hbm>> -> memref<8x8x128xf32, #tpu.memory_space<hbm>>
      %dma_wait3A_373 = arith.constant 0 : i32
      %dma_wait3A_374 = arith.constant 0 : i32
      %dma_wait3A_375 = arith.constant 0 : i32
      %dma_wait3A_376 = tpu.memref_slice %arg4[%sub3A_357, %dma_wait3A_373, %add3A, %dma_wait3A_374, %dma_wait3A_375] : memref<200x8x32x8x128xf32, #tpu.memory_space<hbm>> -> memref<1x8x1x8x128xf32, #tpu.memory_space<hbm>>
      %dma_wait3A_377 = tpu.memref_squeeze %dma_wait3A_376 : memref<1x8x1x8x128xf32, #tpu.memory_space<hbm>> -> memref<8x8x128xf32, #tpu.memory_space<hbm>>
      %dma_wait3A_378 = arith.constant 0 : i32
      %dma_wait3A_379 = arith.constant 0 : i32
      %dma_wait3A_380 = arith.constant 0 : i32
      %dma_wait3A_381 = tpu.memref_slice %arg7[%dma_wait3A_358, %dma_wait3A_378, %dma_wait3A_379, %dma_wait3A_380] : memref<4x8x8x133xf32, #tpu.memory_space<vmem>> -> memref<1x8x8x133xf32, #tpu.memory_space<vmem>>
      %dma_wait3A_382 = tpu.memref_squeeze %dma_wait3A_381 : memref<1x8x8x133xf32, #tpu.memory_space<vmem>> -> memref<8x8x133xf32, #tpu.memory_space<vmem>>
      %dma_wait3A_383 = arith.constant 0 : i32
      %dma_wait3A_384 = arith.constant 0 : i32
      %dma_wait3A_385 = arith.constant 0 : i32
      %dma_wait3A_386 = tpu.memref_slice %dma_wait3A_382[%dma_wait3A_383, %dma_wait3A_384, %dma_wait3A_385] : memref<8x8x133xf32, #tpu.memory_space<vmem>> -> memref<8x8x128xf32, #tpu.memory_space<vmem>>
      tpu.wait_dma2 semaphore(%arg12 : memref<!tpu.dma_semaphore, #tpu.memory_space<semaphore_mem>>) src(%dma_wait3A_386 : memref<8x8x128xf32, #tpu.memory_space<vmem>>) dst(%dma_wait3A_377 : memref<8x8x128xf32, #tpu.memory_space<hbm>>)
      %lt3A = arith.constant 49 : i32
      %lt3A_387 = arith.cmpi slt, %scan3A_221, %lt3A : i32
      %convert_element_type3A_388 = arith.extui %lt3A_387 : i1 to i32
      %cond3A_389 = arith.constant 0 : i32
      %cond3A_390 = arith.cmpi ne, %convert_element_type3A_388, %cond3A_389 : i32
      scf.if %cond3A_390 {
        %add3A_521 = arith.constant 2 : i32
        %add3A_522 = arith.addi %add3A_355, %add3A_521 : i32
        %dma_start3A_523 = arith.constant 0 : i32
        %dma_start3A_524 = arith.constant 0 : i32
        %dma_start3A_525 = arith.constant 0 : i32
        %dma_start3A_526 = tpu.memref_slice %arg6[%dma_start3A_523, %dma_start3A_524, %dma_start3A_525] : memref<4x128x64xf32, #tpu.memory_space<vmem>> -> memref<1x128x64xf32, #tpu.memory_space<vmem>>
        %dma_start3A_527 = tpu.memref_squeeze %dma_start3A_526 : memref<1x128x64xf32, #tpu.memory_space<vmem>> -> memref<128x64xf32, #tpu.memory_space<vmem>>
        %dma_start3A_528 = arith.constant 0 : i32
        %dma_start3A_529 = tpu.memref_slice %arg5[%add3A_522, %dma_start3A_528] : memref<200x128xi32, #tpu.memory_space<vmem>> -> memref<1x128xi32, #tpu.memory_space<vmem>>
        %dma_start3A_530 = tpu.memref_squeeze %dma_start3A_529 : memref<1x128xi32, #tpu.memory_space<vmem>> -> memref<128xi32, #tpu.memory_space<vmem>>
        %dma_start3A_531 = arith.constant 0 : i32
        %dma_start3A_532 = arith.constant 0 : i32
        %dma_start3A_533 = tpu.memref_slice %arg3[%dma_start3A_531, %dma_start3A_532] : memref<1000000x64xf32, #tpu.memory_space<hbm>> -> memref<1000000x64xf32, #tpu.memory_space<hbm>>
        tpu.enqueue_indirect_dma source(%dma_start3A_533 : memref<1000000x64xf32, #tpu.memory_space<hbm>>) target(%dma_start3A_527 : memref<128x64xf32, #tpu.memory_space<vmem>>) offsets(%dma_start3A_530 : memref<128xi32, #tpu.memory_space<vmem>>) semaphore(%arg8 : memref<!tpu.dma_semaphore, #tpu.memory_space<semaphore_mem>>)
      } else {
      }
      %dma_wait3A_391 = arith.constant 2 : i32
      %dma_wait3A_392 = arith.constant 0 : i32
      %dma_wait3A_393 = arith.constant 0 : i32
      %dma_wait3A_394 = tpu.memref_slice %arg6[%dma_wait3A_391, %dma_wait3A_392, %dma_wait3A_393] : memref<4x128x64xf32, #tpu.memory_space<vmem>> -> memref<1x128x64xf32, #tpu.memory_space<vmem>>
      %dma_wait3A_395 = tpu.memref_squeeze %dma_wait3A_394 : memref<1x128x64xf32, #tpu.memory_space<vmem>> -> memref<128x64xf32, #tpu.memory_space<vmem>>
      %dma_wait3A_396 = arith.constant 0 : i32
      %dma_wait3A_397 = tpu.memref_slice %arg5[%add3A_355, %dma_wait3A_396] : memref<200x128xi32, #tpu.memory_space<vmem>> -> memref<1x128xi32, #tpu.memory_space<vmem>>
      %dma_wait3A_398 = tpu.memref_squeeze %dma_wait3A_397 : memref<1x128xi32, #tpu.memory_space<vmem>> -> memref<128xi32, #tpu.memory_space<vmem>>
      %dma_wait3A_399 = arith.constant 0 : i32
      %dma_wait3A_400 = arith.constant 0 : i32
      %dma_wait3A_401 = tpu.memref_slice %arg3[%dma_wait3A_399, %dma_wait3A_400] : memref<1000000x64xf32, #tpu.memory_space<hbm>> -> memref<1000000x64xf32, #tpu.memory_space<hbm>>
      tpu.wait_indirect_dma semaphore(%arg10 : memref<!tpu.dma_semaphore, #tpu.memory_space<semaphore_mem>>) src(%dma_wait3A_401 : memref<1000000x64xf32, #tpu.memory_space<hbm>>) dst(%dma_wait3A_395 : memref<128x64xf32, #tpu.memory_space<vmem>>)
      %parallel_loop3A_402 = arith.constant 0 : i32
      %parallel_loop3A_403 = arith.constant 128 : i32
      %parallel_loop3A_404 = arith.constant 1 : i32
      %parallel_loop3A_405 = arith.constant 2 : i32
      %parallel_loop3A_406 = arith.constant 2 : i32
      scf.for %parallel_loop3A_521 = %parallel_loop3A_402 to %parallel_loop3A_403 step %parallel_loop3A_404  : i32 {
        %parallel_loop3A_522 = arith.constant 0 : i32
        %parallel_loop3A_523 = vector.broadcast %parallel_loop3A_522 : i32 to vector<16xi32>
        %parallel_loop3A_524 = vector.broadcast %parallel_loop3A_521 : i32 to vector<16xi32>
        %parallel_loop3A_525 = arith.addi %parallel_loop3A_523, %parallel_loop3A_524 : vector<16xi32>
        %parallel_loop3A_526 = arith.constant 0 : i32
        %parallel_loop3A_527 = arith.constant 0 : i32
        %parallel_loop3A_528 = tpu.memref_slice %arg6[%parallel_loop3A_405, %parallel_loop3A_526, %parallel_loop3A_527] : memref<4x128x64xf32, #tpu.memory_space<vmem>> -> memref<1x128x64xf32, #tpu.memory_space<vmem>>
        %parallel_loop3A_529 = tpu.memref_squeeze %parallel_loop3A_528 : memref<1x128x64xf32, #tpu.memory_space<vmem>> -> memref<128x64xf32, #tpu.memory_space<vmem>>
        %parallel_loop3A_530 = arith.index_cast %parallel_loop3A_521 : i32 to index
        %parallel_loop3A_531 = arith.constant 0 : index
        %parallel_loop3A_532 = tpu.vector_load %parallel_loop3A_529[%parallel_loop3A_530, %parallel_loop3A_531] {strides = array<i32>} : memref<128x64xf32, #tpu.memory_space<vmem>>, vector<16xf32>,
        %parallel_loop3A_533 = arith.constant 8.000000e+00 : f32
        %parallel_loop3A_534 = vector.broadcast %parallel_loop3A_533 : f32 to vector<16xf32>
        %parallel_loop3A_535 = arith.mulf %parallel_loop3A_532, %parallel_loop3A_534 : vector<16xf32>
        %parallel_loop3A_536 = arith.constant 0 : i32
        %parallel_loop3A_537 = arith.constant 0 : i32
        %parallel_loop3A_538 = arith.constant 0 : i32
        %parallel_loop3A_539 = tpu.memref_slice %arg7[%parallel_loop3A_406, %parallel_loop3A_536, %parallel_loop3A_537, %parallel_loop3A_538] : memref<4x8x8x133xf32, #tpu.memory_space<vmem>> -> memref<1x8x8x133xf32, #tpu.memory_space<vmem>>
        %parallel_loop3A_540 = tpu.memref_squeeze %parallel_loop3A_539 : memref<1x8x8x133xf32, #tpu.memory_space<vmem>> -> memref<8x8x133xf32, #tpu.memory_space<vmem>>
        tpu.vector_store_idx %parallel_loop3A_540[%add3A_51, %rem3A_156, %parallel_loop3A_525], %parallel_loop3A_535 : memref<8x8x133xf32, #tpu.memory_space<vmem>>[vector<16xi32>, vector<16xi32>, vector<16xi32>], vector<16xf32>,
        %parallel_loop3A_541 = arith.constant 0 : i32
        %parallel_loop3A_542 = arith.constant 0 : i32
        %parallel_loop3A_543 = tpu.memref_slice %arg6[%parallel_loop3A_405, %parallel_loop3A_541, %parallel_loop3A_542] : memref<4x128x64xf32, #tpu.memory_space<vmem>> -> memref<1x128x64xf32, #tpu.memory_space<vmem>>
        %parallel_loop3A_544 = tpu.memref_squeeze %parallel_loop3A_543 : memref<1x128x64xf32, #tpu.memory_space<vmem>> -> memref<128x64xf32, #tpu.memory_space<vmem>>
        %parallel_loop3A_545 = arith.index_cast %parallel_loop3A_521 : i32 to index
        %parallel_loop3A_546 = arith.constant 16 : index
        %parallel_loop3A_547 = tpu.vector_load %parallel_loop3A_544[%parallel_loop3A_545, %parallel_loop3A_546] {strides = array<i32>} : memref<128x64xf32, #tpu.memory_space<vmem>>, vector<16xf32>,
        %parallel_loop3A_548 = arith.constant 8.000000e+00 : f32
        %parallel_loop3A_549 = vector.broadcast %parallel_loop3A_548 : f32 to vector<16xf32>
        %parallel_loop3A_550 = arith.mulf %parallel_loop3A_547, %parallel_loop3A_549 : vector<16xf32>
        %parallel_loop3A_551 = arith.constant 0 : i32
        %parallel_loop3A_552 = arith.constant 0 : i32
        %parallel_loop3A_553 = arith.constant 0 : i32
        %parallel_loop3A_554 = tpu.memref_slice %arg7[%parallel_loop3A_406, %parallel_loop3A_551, %parallel_loop3A_552, %parallel_loop3A_553] : memref<4x8x8x133xf32, #tpu.memory_space<vmem>> -> memref<1x8x8x133xf32, #tpu.memory_space<vmem>>
        %parallel_loop3A_555 = tpu.memref_squeeze %parallel_loop3A_554 : memref<1x8x8x133xf32, #tpu.memory_space<vmem>> -> memref<8x8x133xf32, #tpu.memory_space<vmem>>
        tpu.vector_store_idx %parallel_loop3A_555[%add3A_85, %rem3A_156, %parallel_loop3A_525], %parallel_loop3A_550 : memref<8x8x133xf32, #tpu.memory_space<vmem>>[vector<16xi32>, vector<16xi32>, vector<16xi32>], vector<16xf32>,
        %parallel_loop3A_556 = arith.constant 0 : i32
        %parallel_loop3A_557 = arith.constant 0 : i32
        %parallel_loop3A_558 = tpu.memref_slice %arg6[%parallel_loop3A_405, %parallel_loop3A_556, %parallel_loop3A_557] : memref<4x128x64xf32, #tpu.memory_space<vmem>> -> memref<1x128x64xf32, #tpu.memory_space<vmem>>
        %parallel_loop3A_559 = tpu.memref_squeeze %parallel_loop3A_558 : memref<1x128x64xf32, #tpu.memory_space<vmem>> -> memref<128x64xf32, #tpu.memory_space<vmem>>
        %parallel_loop3A_560 = arith.index_cast %parallel_loop3A_521 : i32 to index
        %parallel_loop3A_561 = arith.constant 32 : index
        %parallel_loop3A_562 = tpu.vector_load %parallel_loop3A_559[%parallel_loop3A_560, %parallel_loop3A_561] {strides = array<i32>} : memref<128x64xf32, #tpu.memory_space<vmem>>, vector<16xf32>,
        %parallel_loop3A_563 = arith.constant 8.000000e+00 : f32
        %parallel_loop3A_564 = vector.broadcast %parallel_loop3A_563 : f32 to vector<16xf32>
        %parallel_loop3A_565 = arith.mulf %parallel_loop3A_562, %parallel_loop3A_564 : vector<16xf32>
        %parallel_loop3A_566 = arith.constant 0 : i32
        %parallel_loop3A_567 = arith.constant 0 : i32
        %parallel_loop3A_568 = arith.constant 0 : i32
        %parallel_loop3A_569 = tpu.memref_slice %arg7[%parallel_loop3A_406, %parallel_loop3A_566, %parallel_loop3A_567, %parallel_loop3A_568] : memref<4x8x8x133xf32, #tpu.memory_space<vmem>> -> memref<1x8x8x133xf32, #tpu.memory_space<vmem>>
        %parallel_loop3A_570 = tpu.memref_squeeze %parallel_loop3A_569 : memref<1x8x8x133xf32, #tpu.memory_space<vmem>> -> memref<8x8x133xf32, #tpu.memory_space<vmem>>
        tpu.vector_store_idx %parallel_loop3A_570[%add3A_119, %rem3A_156, %parallel_loop3A_525], %parallel_loop3A_565 : memref<8x8x133xf32, #tpu.memory_space<vmem>>[vector<16xi32>, vector<16xi32>, vector<16xi32>], vector<16xf32>,
        %parallel_loop3A_571 = arith.constant 0 : i32
        %parallel_loop3A_572 = arith.constant 0 : i32
        %parallel_loop3A_573 = tpu.memref_slice %arg6[%parallel_loop3A_405, %parallel_loop3A_571, %parallel_loop3A_572] : memref<4x128x64xf32, #tpu.memory_space<vmem>> -> memref<1x128x64xf32, #tpu.memory_space<vmem>>
        %parallel_loop3A_574 = tpu.memref_squeeze %parallel_loop3A_573 : memref<1x128x64xf32, #tpu.memory_space<vmem>> -> memref<128x64xf32, #tpu.memory_space<vmem>>
        %parallel_loop3A_575 = arith.index_cast %parallel_loop3A_521 : i32 to index
        %parallel_loop3A_576 = arith.constant 48 : index
        %parallel_loop3A_577 = tpu.vector_load %parallel_loop3A_574[%parallel_loop3A_575, %parallel_loop3A_576] {strides = array<i32>} : memref<128x64xf32, #tpu.memory_space<vmem>>, vector<16xf32>,
        %parallel_loop3A_578 = arith.constant 8.000000e+00 : f32
        %parallel_loop3A_579 = vector.broadcast %parallel_loop3A_578 : f32 to vector<16xf32>
        %parallel_loop3A_580 = arith.mulf %parallel_loop3A_577, %parallel_loop3A_579 : vector<16xf32>
        %parallel_loop3A_581 = arith.constant 0 : i32
        %parallel_loop3A_582 = arith.constant 0 : i32
        %parallel_loop3A_583 = arith.constant 0 : i32
        %parallel_loop3A_584 = tpu.memref_slice %arg7[%parallel_loop3A_406, %parallel_loop3A_581, %parallel_loop3A_582, %parallel_loop3A_583] : memref<4x8x8x133xf32, #tpu.memory_space<vmem>> -> memref<1x8x8x133xf32, #tpu.memory_space<vmem>>
        %parallel_loop3A_585 = tpu.memref_squeeze %parallel_loop3A_584 : memref<1x8x8x133xf32, #tpu.memory_space<vmem>> -> memref<8x8x133xf32, #tpu.memory_space<vmem>>
        tpu.vector_store_idx %parallel_loop3A_585[%add3A_153, %rem3A_156, %parallel_loop3A_525], %parallel_loop3A_580 : memref<8x8x133xf32, #tpu.memory_space<vmem>>[vector<16xi32>, vector<16xi32>, vector<16xi32>], vector<16xf32>,
      } {sc.loop_unroll_factor = 4 : i64, sc.parallel_access}
      %dma_start3A_407 = arith.constant 2 : i32
      %dma_start3A_408 = arith.constant 0 : i32
      %dma_start3A_409 = arith.constant 0 : i32
      %dma_start3A_410 = arith.constant 0 : i32
      %dma_start3A_411 = tpu.memref_slice %arg7[%dma_start3A_407, %dma_start3A_408, %dma_start3A_409, %dma_start3A_410] : memref<4x8x8x133xf32, #tpu.memory_space<vmem>> -> memref<1x8x8x133xf32, #tpu.memory_space<vmem>>
      %dma_start3A_412 = tpu.memref_squeeze %dma_start3A_411 : memref<1x8x8x133xf32, #tpu.memory_space<vmem>> -> memref<8x8x133xf32, #tpu.memory_space<vmem>>
      %dma_start3A_413 = arith.constant 0 : i32
      %dma_start3A_414 = arith.constant 0 : i32
      %dma_start3A_415 = arith.constant 0 : i32
      %dma_start3A_416 = tpu.memref_slice %dma_start3A_412[%dma_start3A_413, %dma_start3A_414, %dma_start3A_415] : memref<8x8x133xf32, #tpu.memory_space<vmem>> -> memref<8x8x128xf32, #tpu.memory_space<vmem>>
      %dma_start3A_417 = arith.constant 0 : i32
      %dma_start3A_418 = arith.constant 0 : i32
      %dma_start3A_419 = arith.constant 0 : i32
      %dma_start3A_420 = tpu.memref_slice %arg4[%add3A_355, %dma_start3A_417, %add3A, %dma_start3A_418, %dma_start3A_419] : memref<200x8x32x8x128xf32, #tpu.memory_space<hbm>> -> memref<1x8x1x8x128xf32, #tpu.memory_space<hbm>>
      %dma_start3A_421 = tpu.memref_squeeze %dma_start3A_420 : memref<1x8x1x8x128xf32, #tpu.memory_space<hbm>> -> memref<8x8x128xf32, #tpu.memory_space<hbm>>
      %dma_start3A_422 = arith.constant 0 : i32
      %dma_start3A_423 = arith.constant 0 : i32
      %dma_start3A_424 = arith.constant 0 : i32
      %dma_start3A_425 = tpu.memref_slice %arg4[%add3A_355, %dma_start3A_422, %add3A, %dma_start3A_423, %dma_start3A_424] : memref<200x8x32x8x128xf32, #tpu.memory_space<hbm>> -> memref<1x8x1x8x128xf32, #tpu.memory_space<hbm>>
      %dma_start3A_426 = tpu.memref_squeeze %dma_start3A_425 : memref<1x8x1x8x128xf32, #tpu.memory_space<hbm>> -> memref<8x8x128xf32, #tpu.memory_space<hbm>>
      %dma_start3A_427 = arith.constant 0 : i32
      %dma_start3A_428 = arith.constant 0 : i32
      %dma_start3A_429 = arith.constant 0 : i32
      %dma_start3A_430 = tpu.memref_slice %arg7[%dma_start3A_407, %dma_start3A_427, %dma_start3A_428, %dma_start3A_429] : memref<4x8x8x133xf32, #tpu.memory_space<vmem>> -> memref<1x8x8x133xf32, #tpu.memory_space<vmem>>
      %dma_start3A_431 = tpu.memref_squeeze %dma_start3A_430 : memref<1x8x8x133xf32, #tpu.memory_space<vmem>> -> memref<8x8x133xf32, #tpu.memory_space<vmem>>
      %dma_start3A_432 = arith.constant 0 : i32
      %dma_start3A_433 = arith.constant 0 : i32
      %dma_start3A_434 = arith.constant 0 : i32
      %dma_start3A_435 = tpu.memref_slice %dma_start3A_431[%dma_start3A_432, %dma_start3A_433, %dma_start3A_434] : memref<8x8x133xf32, #tpu.memory_space<vmem>> -> memref<8x8x128xf32, #tpu.memory_space<vmem>>
      tpu.enqueue_dma source(%dma_start3A_435 : memref<8x8x128xf32, #tpu.memory_space<vmem>>) target(%dma_start3A_426 : memref<8x8x128xf32, #tpu.memory_space<hbm>>) target_semaphore(%arg14 : memref<!tpu.dma_semaphore, #tpu.memory_space<semaphore_mem>>)
      %mul3A_436 = arith.constant 4 : i32
      %mul3A_437 = arith.muli %mul3A_436, %scan3A_221 : i32
      %add3A_438 = arith.constant 3 : i32
      %add3A_439 = arith.addi %mul3A_437, %add3A_438 : i32
      %sub3A_440 = arith.constant 2 : i32
      %sub3A_441 = arith.subi %add3A_439, %sub3A_440 : i32
      %dma_wait3A_442 = arith.constant 1 : i32
      %dma_wait3A_443 = arith.constant 0 : i32
      %dma_wait3A_444 = arith.constant 0 : i32
      %dma_wait3A_445 = arith.constant 0 : i32
      %dma_wait3A_446 = tpu.memref_slice %arg7[%dma_wait3A_442, %dma_wait3A_443, %dma_wait3A_444, %dma_wait3A_445] : memref<4x8x8x133xf32, #tpu.memory_space<vmem>> -> memref<1x8x8x133xf32, #tpu.memory_space<vmem>>
      %dma_wait3A_447 = tpu.memref_squeeze %dma_wait3A_446 : memref<1x8x8x133xf32, #tpu.memory_space<vmem>> -> memref<8x8x133xf32, #tpu.memory_space<vmem>>
      %dma_wait3A_448 = arith.constant 0 : i32
      %dma_wait3A_449 = arith.constant 0 : i32
      %dma_wait3A_450 = arith.constant 0 : i32
      %dma_wait3A_451 = tpu.memref_slice %dma_wait3A_447[%dma_wait3A_448, %dma_wait3A_449, %dma_wait3A_450] : memref<8x8x133xf32, #tpu.memory_space<vmem>> -> memref<8x8x128xf32, #tpu.memory_space<vmem>>
      %dma_wait3A_452 = arith.constant 0 : i32
      %dma_wait3A_453 = arith.constant 0 : i32
      %dma_wait3A_454 = arith.constant 0 : i32
      %dma_wait3A_455 = tpu.memref_slice %arg4[%sub3A_441, %dma_wait3A_452, %add3A, %dma_wait3A_453, %dma_wait3A_454] : memref<200x8x32x8x128xf32, #tpu.memory_space<hbm>> -> memref<1x8x1x8x128xf32, #tpu.memory_space<hbm>>
      %dma_wait3A_456 = tpu.memref_squeeze %dma_wait3A_455 : memref<1x8x1x8x128xf32, #tpu.memory_space<hbm>> -> memref<8x8x128xf32, #tpu.memory_space<hbm>>
      %dma_wait3A_457 = arith.constant 0 : i32
      %dma_wait3A_458 = arith.constant 0 : i32
      %dma_wait3A_459 = arith.constant 0 : i32
      %dma_wait3A_460 = tpu.memref_slice %arg4[%sub3A_441, %dma_wait3A_457, %add3A, %dma_wait3A_458, %dma_wait3A_459] : memref<200x8x32x8x128xf32, #tpu.memory_space<hbm>> -> memref<1x8x1x8x128xf32, #tpu.memory_space<hbm>>
      %dma_wait3A_461 = tpu.memref_squeeze %dma_wait3A_460 : memref<1x8x1x8x128xf32, #tpu.memory_space<hbm>> -> memref<8x8x128xf32, #tpu.memory_space<hbm>>
      %dma_wait3A_462 = arith.constant 0 : i32
      %dma_wait3A_463 = arith.constant 0 : i32
      %dma_wait3A_464 = arith.constant 0 : i32
      %dma_wait3A_465 = tpu.memref_slice %arg7[%dma_wait3A_442, %dma_wait3A_462, %dma_wait3A_463, %dma_wait3A_464] : memref<4x8x8x133xf32, #tpu.memory_space<vmem>> -> memref<1x8x8x133xf32, #tpu.memory_space<vmem>>
      %dma_wait3A_466 = tpu.memref_squeeze %dma_wait3A_465 : memref<1x8x8x133xf32, #tpu.memory_space<vmem>> -> memref<8x8x133xf32, #tpu.memory_space<vmem>>
      %dma_wait3A_467 = arith.constant 0 : i32
      %dma_wait3A_468 = arith.constant 0 : i32
      %dma_wait3A_469 = arith.constant 0 : i32
      %dma_wait3A_470 = tpu.memref_slice %dma_wait3A_466[%dma_wait3A_467, %dma_wait3A_468, %dma_wait3A_469] : memref<8x8x133xf32, #tpu.memory_space<vmem>> -> memref<8x8x128xf32, #tpu.memory_space<vmem>>
      tpu.wait_dma2 semaphore(%arg13 : memref<!tpu.dma_semaphore, #tpu.memory_space<semaphore_mem>>) src(%dma_wait3A_470 : memref<8x8x128xf32, #tpu.memory_space<vmem>>) dst(%dma_wait3A_461 : memref<8x8x128xf32, #tpu.memory_space<hbm>>)
      %lt3A_471 = arith.constant 49 : i32
      %lt3A_472 = arith.cmpi slt, %scan3A_221, %lt3A_471 : i32
      %convert_element_type3A_473 = arith.extui %lt3A_472 : i1 to i32
      %cond3A_474 = arith.constant 0 : i32
      %cond3A_475 = arith.cmpi ne, %convert_element_type3A_473, %cond3A_474 : i32
      scf.if %cond3A_475 {
        %add3A_521 = arith.constant 2 : i32
        %add3A_522 = arith.addi %add3A_439, %add3A_521 : i32
        %dma_start3A_523 = arith.constant 1 : i32
        %dma_start3A_524 = arith.constant 0 : i32
        %dma_start3A_525 = arith.constant 0 : i32
        %dma_start3A_526 = tpu.memref_slice %arg6[%dma_start3A_523, %dma_start3A_524, %dma_start3A_525] : memref<4x128x64xf32, #tpu.memory_space<vmem>> -> memref<1x128x64xf32, #tpu.memory_space<vmem>>
        %dma_start3A_527 = tpu.memref_squeeze %dma_start3A_526 : memref<1x128x64xf32, #tpu.memory_space<vmem>> -> memref<128x64xf32, #tpu.memory_space<vmem>>
        %dma_start3A_528 = arith.constant 0 : i32
        %dma_start3A_529 = tpu.memref_slice %arg5[%add3A_522, %dma_start3A_528] : memref<200x128xi32, #tpu.memory_space<vmem>> -> memref<1x128xi32, #tpu.memory_space<vmem>>
        %dma_start3A_530 = tpu.memref_squeeze %dma_start3A_529 : memref<1x128xi32, #tpu.memory_space<vmem>> -> memref<128xi32, #tpu.memory_space<vmem>>
        %dma_start3A_531 = arith.constant 0 : i32
        %dma_start3A_532 = arith.constant 0 : i32
        %dma_start3A_533 = tpu.memref_slice %arg3[%dma_start3A_531, %dma_start3A_532] : memref<1000000x64xf32, #tpu.memory_space<hbm>> -> memref<1000000x64xf32, #tpu.memory_space<hbm>>
        tpu.enqueue_indirect_dma source(%dma_start3A_533 : memref<1000000x64xf32, #tpu.memory_space<hbm>>) target(%dma_start3A_527 : memref<128x64xf32, #tpu.memory_space<vmem>>) offsets(%dma_start3A_530 : memref<128xi32, #tpu.memory_space<vmem>>) semaphore(%arg9 : memref<!tpu.dma_semaphore, #tpu.memory_space<semaphore_mem>>)
      } else {
      }
      %dma_wait3A_476 = arith.constant 3 : i32
      %dma_wait3A_477 = arith.constant 0 : i32
      %dma_wait3A_478 = arith.constant 0 : i32
      %dma_wait3A_479 = tpu.memref_slice %arg6[%dma_wait3A_476, %dma_wait3A_477, %dma_wait3A_478] : memref<4x128x64xf32, #tpu.memory_space<vmem>> -> memref<1x128x64xf32, #tpu.memory_space<vmem>>
      %dma_wait3A_480 = tpu.memref_squeeze %dma_wait3A_479 : memref<1x128x64xf32, #tpu.memory_space<vmem>> -> memref<128x64xf32, #tpu.memory_space<vmem>>
      %dma_wait3A_481 = arith.constant 0 : i32
      %dma_wait3A_482 = tpu.memref_slice %arg5[%add3A_439, %dma_wait3A_481] : memref<200x128xi32, #tpu.memory_space<vmem>> -> memref<1x128xi32, #tpu.memory_space<vmem>>
      %dma_wait3A_483 = tpu.memref_squeeze %dma_wait3A_482 : memref<1x128xi32, #tpu.memory_space<vmem>> -> memref<128xi32, #tpu.memory_space<vmem>>
      %dma_wait3A_484 = arith.constant 0 : i32
      %dma_wait3A_485 = arith.constant 0 : i32
      %dma_wait3A_486 = tpu.memref_slice %arg3[%dma_wait3A_484, %dma_wait3A_485] : memref<1000000x64xf32, #tpu.memory_space<hbm>> -> memref<1000000x64xf32, #tpu.memory_space<hbm>>
      tpu.wait_indirect_dma semaphore(%arg11 : memref<!tpu.dma_semaphore, #tpu.memory_space<semaphore_mem>>) src(%dma_wait3A_486 : memref<1000000x64xf32, #tpu.memory_space<hbm>>) dst(%dma_wait3A_480 : memref<128x64xf32, #tpu.memory_space<vmem>>)
      %parallel_loop3A_487 = arith.constant 0 : i32
      %parallel_loop3A_488 = arith.constant 128 : i32
      %parallel_loop3A_489 = arith.constant 1 : i32
      %parallel_loop3A_490 = arith.constant 3 : i32
      %parallel_loop3A_491 = arith.constant 3 : i32
      scf.for %parallel_loop3A_521 = %parallel_loop3A_487 to %parallel_loop3A_488 step %parallel_loop3A_489  : i32 {
        %parallel_loop3A_522 = arith.constant 0 : i32
        %parallel_loop3A_523 = vector.broadcast %parallel_loop3A_522 : i32 to vector<16xi32>
        %parallel_loop3A_524 = vector.broadcast %parallel_loop3A_521 : i32 to vector<16xi32>
        %parallel_loop3A_525 = arith.addi %parallel_loop3A_523, %parallel_loop3A_524 : vector<16xi32>
        %parallel_loop3A_526 = arith.constant 0 : i32
        %parallel_loop3A_527 = arith.constant 0 : i32
        %parallel_loop3A_528 = tpu.memref_slice %arg6[%parallel_loop3A_490, %parallel_loop3A_526, %parallel_loop3A_527] : memref<4x128x64xf32, #tpu.memory_space<vmem>> -> memref<1x128x64xf32, #tpu.memory_space<vmem>>
        %parallel_loop3A_529 = tpu.memref_squeeze %parallel_loop3A_528 : memref<1x128x64xf32, #tpu.memory_space<vmem>> -> memref<128x64xf32, #tpu.memory_space<vmem>>
        %parallel_loop3A_530 = arith.index_cast %parallel_loop3A_521 : i32 to index
        %parallel_loop3A_531 = arith.constant 0 : index
        %parallel_loop3A_532 = tpu.vector_load %parallel_loop3A_529[%parallel_loop3A_530, %parallel_loop3A_531] {strides = array<i32>} : memref<128x64xf32, #tpu.memory_space<vmem>>, vector<16xf32>,
        %parallel_loop3A_533 = arith.constant 8.000000e+00 : f32
        %parallel_loop3A_534 = vector.broadcast %parallel_loop3A_533 : f32 to vector<16xf32>
        %parallel_loop3A_535 = arith.mulf %parallel_loop3A_532, %parallel_loop3A_534 : vector<16xf32>
        %parallel_loop3A_536 = arith.constant 0 : i32
        %parallel_loop3A_537 = arith.constant 0 : i32
        %parallel_loop3A_538 = arith.constant 0 : i32
        %parallel_loop3A_539 = tpu.memref_slice %arg7[%parallel_loop3A_491, %parallel_loop3A_536, %parallel_loop3A_537, %parallel_loop3A_538] : memref<4x8x8x133xf32, #tpu.memory_space<vmem>> -> memref<1x8x8x133xf32, #tpu.memory_space<vmem>>
        %parallel_loop3A_540 = tpu.memref_squeeze %parallel_loop3A_539 : memref<1x8x8x133xf32, #tpu.memory_space<vmem>> -> memref<8x8x133xf32, #tpu.memory_space<vmem>>
        tpu.vector_store_idx %parallel_loop3A_540[%add3A_51, %rem3A_156, %parallel_loop3A_525], %parallel_loop3A_535 : memref<8x8x133xf32, #tpu.memory_space<vmem>>[vector<16xi32>, vector<16xi32>, vector<16xi32>], vector<16xf32>,
        %parallel_loop3A_541 = arith.constant 0 : i32
        %parallel_loop3A_542 = arith.constant 0 : i32
        %parallel_loop3A_543 = tpu.memref_slice %arg6[%parallel_loop3A_490, %parallel_loop3A_541, %parallel_loop3A_542] : memref<4x128x64xf32, #tpu.memory_space<vmem>> -> memref<1x128x64xf32, #tpu.memory_space<vmem>>
        %parallel_loop3A_544 = tpu.memref_squeeze %parallel_loop3A_543 : memref<1x128x64xf32, #tpu.memory_space<vmem>> -> memref<128x64xf32, #tpu.memory_space<vmem>>
        %parallel_loop3A_545 = arith.index_cast %parallel_loop3A_521 : i32 to index
        %parallel_loop3A_546 = arith.constant 16 : index
        %parallel_loop3A_547 = tpu.vector_load %parallel_loop3A_544[%parallel_loop3A_545, %parallel_loop3A_546] {strides = array<i32>} : memref<128x64xf32, #tpu.memory_space<vmem>>, vector<16xf32>,
        %parallel_loop3A_548 = arith.constant 8.000000e+00 : f32
        %parallel_loop3A_549 = vector.broadcast %parallel_loop3A_548 : f32 to vector<16xf32>
        %parallel_loop3A_550 = arith.mulf %parallel_loop3A_547, %parallel_loop3A_549 : vector<16xf32>
        %parallel_loop3A_551 = arith.constant 0 : i32
        %parallel_loop3A_552 = arith.constant 0 : i32
        %parallel_loop3A_553 = arith.constant 0 : i32
        %parallel_loop3A_554 = tpu.memref_slice %arg7[%parallel_loop3A_491, %parallel_loop3A_551, %parallel_loop3A_552, %parallel_loop3A_553] : memref<4x8x8x133xf32, #tpu.memory_space<vmem>> -> memref<1x8x8x133xf32, #tpu.memory_space<vmem>>
        %parallel_loop3A_555 = tpu.memref_squeeze %parallel_loop3A_554 : memref<1x8x8x133xf32, #tpu.memory_space<vmem>> -> memref<8x8x133xf32, #tpu.memory_space<vmem>>
        tpu.vector_store_idx %parallel_loop3A_555[%add3A_85, %rem3A_156, %parallel_loop3A_525], %parallel_loop3A_550 : memref<8x8x133xf32, #tpu.memory_space<vmem>>[vector<16xi32>, vector<16xi32>, vector<16xi32>], vector<16xf32>,
        %parallel_loop3A_556 = arith.constant 0 : i32
        %parallel_loop3A_557 = arith.constant 0 : i32
        %parallel_loop3A_558 = tpu.memref_slice %arg6[%parallel_loop3A_490, %parallel_loop3A_556, %parallel_loop3A_557] : memref<4x128x64xf32, #tpu.memory_space<vmem>> -> memref<1x128x64xf32, #tpu.memory_space<vmem>>
        %parallel_loop3A_559 = tpu.memref_squeeze %parallel_loop3A_558 : memref<1x128x64xf32, #tpu.memory_space<vmem>> -> memref<128x64xf32, #tpu.memory_space<vmem>>
        %parallel_loop3A_560 = arith.index_cast %parallel_loop3A_521 : i32 to index
        %parallel_loop3A_561 = arith.constant 32 : index
        %parallel_loop3A_562 = tpu.vector_load %parallel_loop3A_559[%parallel_loop3A_560, %parallel_loop3A_561] {strides = array<i32>} : memref<128x64xf32, #tpu.memory_space<vmem>>, vector<16xf32>,
        %parallel_loop3A_563 = arith.constant 8.000000e+00 : f32
        %parallel_loop3A_564 = vector.broadcast %parallel_loop3A_563 : f32 to vector<16xf32>
        %parallel_loop3A_565 = arith.mulf %parallel_loop3A_562, %parallel_loop3A_564 : vector<16xf32>
        %parallel_loop3A_566 = arith.constant 0 : i32
        %parallel_loop3A_567 = arith.constant 0 : i32
        %parallel_loop3A_568 = arith.constant 0 : i32
        %parallel_loop3A_569 = tpu.memref_slice %arg7[%parallel_loop3A_491, %parallel_loop3A_566, %parallel_loop3A_567, %parallel_loop3A_568] : memref<4x8x8x133xf32, #tpu.memory_space<vmem>> -> memref<1x8x8x133xf32, #tpu.memory_space<vmem>>
        %parallel_loop3A_570 = tpu.memref_squeeze %parallel_loop3A_569 : memref<1x8x8x133xf32, #tpu.memory_space<vmem>> -> memref<8x8x133xf32, #tpu.memory_space<vmem>>
        tpu.vector_store_idx %parallel_loop3A_570[%add3A_119, %rem3A_156, %parallel_loop3A_525], %parallel_loop3A_565 : memref<8x8x133xf32, #tpu.memory_space<vmem>>[vector<16xi32>, vector<16xi32>, vector<16xi32>], vector<16xf32>,
        %parallel_loop3A_571 = arith.constant 0 : i32
        %parallel_loop3A_572 = arith.constant 0 : i32
        %parallel_loop3A_573 = tpu.memref_slice %arg6[%parallel_loop3A_490, %parallel_loop3A_571, %parallel_loop3A_572] : memref<4x128x64xf32, #tpu.memory_space<vmem>> -> memref<1x128x64xf32, #tpu.memory_space<vmem>>
        %parallel_loop3A_574 = tpu.memref_squeeze %parallel_loop3A_573 : memref<1x128x64xf32, #tpu.memory_space<vmem>> -> memref<128x64xf32, #tpu.memory_space<vmem>>
        %parallel_loop3A_575 = arith.index_cast %parallel_loop3A_521 : i32 to index
        %parallel_loop3A_576 = arith.constant 48 : index
        %parallel_loop3A_577 = tpu.vector_load %parallel_loop3A_574[%parallel_loop3A_575, %parallel_loop3A_576] {strides = array<i32>} : memref<128x64xf32, #tpu.memory_space<vmem>>, vector<16xf32>,
        %parallel_loop3A_578 = arith.constant 8.000000e+00 : f32
        %parallel_loop3A_579 = vector.broadcast %parallel_loop3A_578 : f32 to vector<16xf32>
        %parallel_loop3A_580 = arith.mulf %parallel_loop3A_577, %parallel_loop3A_579 : vector<16xf32>
        %parallel_loop3A_581 = arith.constant 0 : i32
        %parallel_loop3A_582 = arith.constant 0 : i32
        %parallel_loop3A_583 = arith.constant 0 : i32
        %parallel_loop3A_584 = tpu.memref_slice %arg7[%parallel_loop3A_491, %parallel_loop3A_581, %parallel_loop3A_582, %parallel_loop3A_583] : memref<4x8x8x133xf32, #tpu.memory_space<vmem>> -> memref<1x8x8x133xf32, #tpu.memory_space<vmem>>
        %parallel_loop3A_585 = tpu.memref_squeeze %parallel_loop3A_584 : memref<1x8x8x133xf32, #tpu.memory_space<vmem>> -> memref<8x8x133xf32, #tpu.memory_space<vmem>>
        tpu.vector_store_idx %parallel_loop3A_585[%add3A_153, %rem3A_156, %parallel_loop3A_525], %parallel_loop3A_580 : memref<8x8x133xf32, #tpu.memory_space<vmem>>[vector<16xi32>, vector<16xi32>, vector<16xi32>], vector<16xf32>,
      } {sc.loop_unroll_factor = 4 : i64, sc.parallel_access}
      %dma_start3A_492 = arith.constant 3 : i32
      %dma_start3A_493 = arith.constant 0 : i32
      %dma_start3A_494 = arith.constant 0 : i32
      %dma_start3A_495 = arith.constant 0 : i32
      %dma_start3A_496 = tpu.memref_slice %arg7[%dma_start3A_492, %dma_start3A_493, %dma_start3A_494, %dma_start3A_495] : memref<4x8x8x133xf32, #tpu.memory_space<vmem>> -> memref<1x8x8x133xf32, #tpu.memory_space<vmem>>
      %dma_start3A_497 = tpu.memref_squeeze %dma_start3A_496 : memref<1x8x8x133xf32, #tpu.memory_space<vmem>> -> memref<8x8x133xf32, #tpu.memory_space<vmem>>
      %dma_start3A_498 = arith.constant 0 : i32
      %dma_start3A_499 = arith.constant 0 : i32
      %dma_start3A_500 = arith.constant 0 : i32
      %dma_start3A_501 = tpu.memref_slice %dma_start3A_497[%dma_start3A_498, %dma_start3A_499, %dma_start3A_500] : memref<8x8x133xf32, #tpu.memory_space<vmem>> -> memref<8x8x128xf32, #tpu.memory_space<vmem>>
      %dma_start3A_502 = arith.constant 0 : i32
      %dma_start3A_503 = arith.constant 0 : i32
      %dma_start3A_504 = arith.constant 0 : i32
      %dma_start3A_505 = tpu.memref_slice %arg4[%add3A_439, %dma_start3A_502, %add3A, %dma_start3A_503, %dma_start3A_504] : memref<200x8x32x8x128xf32, #tpu.memory_space<hbm>> -> memref<1x8x1x8x128xf32, #tpu.memory_space<hbm>>
      %dma_start3A_506 = tpu.memref_squeeze %dma_start3A_505 : memref<1x8x1x8x128xf32, #tpu.memory_space<hbm>> -> memref<8x8x128xf32, #tpu.memory_space<hbm>>
      %dma_start3A_507 = arith.constant 0 : i32
      %dma_start3A_508 = arith.constant 0 : i32
      %dma_start3A_509 = arith.constant 0 : i32
      %dma_start3A_510 = tpu.memref_slice %arg4[%add3A_439, %dma_start3A_507, %add3A, %dma_start3A_508, %dma_start3A_509] : memref<200x8x32x8x128xf32, #tpu.memory_space<hbm>> -> memref<1x8x1x8x128xf32, #tpu.memory_space<hbm>>
      %dma_start3A_511 = tpu.memref_squeeze %dma_start3A_510 : memref<1x8x1x8x128xf32, #tpu.memory_space<hbm>> -> memref<8x8x128xf32, #tpu.memory_space<hbm>>
      %dma_start3A_512 = arith.constant 0 : i32
      %dma_start3A_513 = arith.constant 0 : i32
      %dma_start3A_514 = arith.constant 0 : i32
      %dma_start3A_515 = tpu.memref_slice %arg7[%dma_start3A_492, %dma_start3A_512, %dma_start3A_513, %dma_start3A_514] : memref<4x8x8x133xf32, #tpu.memory_space<vmem>> -> memref<1x8x8x133xf32, #tpu.memory_space<vmem>>
      %dma_start3A_516 = tpu.memref_squeeze %dma_start3A_515 : memref<1x8x8x133xf32, #tpu.memory_space<vmem>> -> memref<8x8x133xf32, #tpu.memory_space<vmem>>
      %dma_start3A_517 = arith.constant 0 : i32
      %dma_start3A_518 = arith.constant 0 : i32
      %dma_start3A_519 = arith.constant 0 : i32
      %dma_start3A_520 = tpu.memref_slice %dma_start3A_516[%dma_start3A_517, %dma_start3A_518, %dma_start3A_519] : memref<8x8x133xf32, #tpu.memory_space<vmem>> -> memref<8x8x128xf32, #tpu.memory_space<vmem>>
      tpu.enqueue_dma source(%dma_start3A_520 : memref<8x8x128xf32, #tpu.memory_space<vmem>>) target(%dma_start3A_511 : memref<8x8x128xf32, #tpu.memory_space<hbm>>) target_semaphore(%arg15 : memref<!tpu.dma_semaphore, #tpu.memory_space<semaphore_mem>>)
    }
    %scan3A_161 = arith.constant 50 : i32
    %dma_wait3A = arith.constant 2 : i32
    %dma_wait3A_162 = arith.constant 198 : i32
    %dma_wait3A_163 = arith.constant 0 : i32
    %dma_wait3A_164 = arith.constant 0 : i32
    %dma_wait3A_165 = arith.constant 0 : i32
    %dma_wait3A_166 = tpu.memref_slice %arg7[%dma_wait3A, %dma_wait3A_163, %dma_wait3A_164, %dma_wait3A_165] : memref<4x8x8x133xf32, #tpu.memory_space<vmem>> -> memref<1x8x8x133xf32, #tpu.memory_space<vmem>>
    %dma_wait3A_167 = tpu.memref_squeeze %dma_wait3A_166 : memref<1x8x8x133xf32, #tpu.memory_space<vmem>> -> memref<8x8x133xf32, #tpu.memory_space<vmem>>
    %dma_wait3A_168 = arith.constant 0 : i32
    %dma_wait3A_169 = arith.constant 0 : i32
    %dma_wait3A_170 = arith.constant 0 : i32
    %dma_wait3A_171 = tpu.memref_slice %dma_wait3A_167[%dma_wait3A_168, %dma_wait3A_169, %dma_wait3A_170] : memref<8x8x133xf32, #tpu.memory_space<vmem>> -> memref<8x8x128xf32, #tpu.memory_space<vmem>>
    %dma_wait3A_172 = arith.constant 0 : i32
    %dma_wait3A_173 = arith.constant 0 : i32
    %dma_wait3A_174 = arith.constant 0 : i32
    %dma_wait3A_175 = tpu.memref_slice %arg4[%dma_wait3A_162, %dma_wait3A_172, %add3A, %dma_wait3A_173, %dma_wait3A_174] : memref<200x8x32x8x128xf32, #tpu.memory_space<hbm>> -> memref<1x8x1x8x128xf32, #tpu.memory_space<hbm>>
    %dma_wait3A_176 = tpu.memref_squeeze %dma_wait3A_175 : memref<1x8x1x8x128xf32, #tpu.memory_space<hbm>> -> memref<8x8x128xf32, #tpu.memory_space<hbm>>
    %dma_wait3A_177 = arith.constant 0 : i32
    %dma_wait3A_178 = arith.constant 0 : i32
    %dma_wait3A_179 = arith.constant 0 : i32
    %dma_wait3A_180 = tpu.memref_slice %arg4[%dma_wait3A_162, %dma_wait3A_177, %add3A, %dma_wait3A_178, %dma_wait3A_179] : memref<200x8x32x8x128xf32, #tpu.memory_space<hbm>> -> memref<1x8x1x8x128xf32, #tpu.memory_space<hbm>>
    %dma_wait3A_181 = tpu.memref_squeeze %dma_wait3A_180 : memref<1x8x1x8x128xf32, #tpu.memory_space<hbm>> -> memref<8x8x128xf32, #tpu.memory_space<hbm>>
    %dma_wait3A_182 = arith.constant 0 : i32
    %dma_wait3A_183 = arith.constant 0 : i32
    %dma_wait3A_184 = arith.constant 0 : i32
    %dma_wait3A_185 = tpu.memref_slice %arg7[%dma_wait3A, %dma_wait3A_182, %dma_wait3A_183, %dma_wait3A_184] : memref<4x8x8x133xf32, #tpu.memory_space<vmem>> -> memref<1x8x8x133xf32, #tpu.memory_space<vmem>>
    %dma_wait3A_186 = tpu.memref_squeeze %dma_wait3A_185 : memref<1x8x8x133xf32, #tpu.memory_space<vmem>> -> memref<8x8x133xf32, #tpu.memory_space<vmem>>
    %dma_wait3A_187 = arith.constant 0 : i32
    %dma_wait3A_188 = arith.constant 0 : i32
    %dma_wait3A_189 = arith.constant 0 : i32
    %dma_wait3A_190 = tpu.memref_slice %dma_wait3A_186[%dma_wait3A_187, %dma_wait3A_188, %dma_wait3A_189] : memref<8x8x133xf32, #tpu.memory_space<vmem>> -> memref<8x8x128xf32, #tpu.memory_space<vmem>>
    tpu.wait_dma2 semaphore(%arg14 : memref<!tpu.dma_semaphore, #tpu.memory_space<semaphore_mem>>) src(%dma_wait3A_190 : memref<8x8x128xf32, #tpu.memory_space<vmem>>) dst(%dma_wait3A_181 : memref<8x8x128xf32, #tpu.memory_space<hbm>>)
    %dma_wait3A_191 = arith.constant 3 : i32
    %dma_wait3A_192 = arith.constant 199 : i32
    %dma_wait3A_193 = arith.constant 0 : i32
    %dma_wait3A_194 = arith.constant 0 : i32
    %dma_wait3A_195 = arith.constant 0 : i32
    %dma_wait3A_196 = tpu.memref_slice %arg7[%dma_wait3A_191, %dma_wait3A_193, %dma_wait3A_194, %dma_wait3A_195] : memref<4x8x8x133xf32, #tpu.memory_space<vmem>> -> memref<1x8x8x133xf32, #tpu.memory_space<vmem>>
    %dma_wait3A_197 = tpu.memref_squeeze %dma_wait3A_196 : memref<1x8x8x133xf32, #tpu.memory_space<vmem>> -> memref<8x8x133xf32, #tpu.memory_space<vmem>>
    %dma_wait3A_198 = arith.constant 0 : i32
    %dma_wait3A_199 = arith.constant 0 : i32
    %dma_wait3A_200 = arith.constant 0 : i32
    %dma_wait3A_201 = tpu.memref_slice %dma_wait3A_197[%dma_wait3A_198, %dma_wait3A_199, %dma_wait3A_200] : memref<8x8x133xf32, #tpu.memory_space<vmem>> -> memref<8x8x128xf32, #tpu.memory_space<vmem>>
    %dma_wait3A_202 = arith.constant 0 : i32
    %dma_wait3A_203 = arith.constant 0 : i32
    %dma_wait3A_204 = arith.constant 0 : i32
    %dma_wait3A_205 = tpu.memref_slice %arg4[%dma_wait3A_192, %dma_wait3A_202, %add3A, %dma_wait3A_203, %dma_wait3A_204] : memref<200x8x32x8x128xf32, #tpu.memory_space<hbm>> -> memref<1x8x1x8x128xf32, #tpu.memory_space<hbm>>
    %dma_wait3A_206 = tpu.memref_squeeze %dma_wait3A_205 : memref<1x8x1x8x128xf32, #tpu.memory_space<hbm>> -> memref<8x8x128xf32, #tpu.memory_space<hbm>>
    %dma_wait3A_207 = arith.constant 0 : i32
    %dma_wait3A_208 = arith.constant 0 : i32
    %dma_wait3A_209 = arith.constant 0 : i32
    %dma_wait3A_210 = tpu.memref_slice %arg4[%dma_wait3A_192, %dma_wait3A_207, %add3A, %dma_wait3A_208, %dma_wait3A_209] : memref<200x8x32x8x128xf32, #tpu.memory_space<hbm>> -> memref<1x8x1x8x128xf32, #tpu.memory_space<hbm>>
    %dma_wait3A_211 = tpu.memref_squeeze %dma_wait3A_210 : memref<1x8x1x8x128xf32, #tpu.memory_space<hbm>> -> memref<8x8x128xf32, #tpu.memory_space<hbm>>
    %dma_wait3A_212 = arith.constant 0 : i32
    %dma_wait3A_213 = arith.constant 0 : i32
    %dma_wait3A_214 = arith.constant 0 : i32
    %dma_wait3A_215 = tpu.memref_slice %arg7[%dma_wait3A_191, %dma_wait3A_212, %dma_wait3A_213, %dma_wait3A_214] : memref<4x8x8x133xf32, #tpu.memory_space<vmem>> -> memref<1x8x8x133xf32, #tpu.memory_space<vmem>>
    %dma_wait3A_216 = tpu.memref_squeeze %dma_wait3A_215 : memref<1x8x8x133xf32, #tpu.memory_space<vmem>> -> memref<8x8x133xf32, #tpu.memory_space<vmem>>
    %dma_wait3A_217 = arith.constant 0 : i32
    %dma_wait3A_218 = arith.constant 0 : i32
    %dma_wait3A_219 = arith.constant 0 : i32
    %dma_wait3A_220 = tpu.memref_slice %dma_wait3A_216[%dma_wait3A_217, %dma_wait3A_218, %dma_wait3A_219] : memref<8x8x133xf32, #tpu.memory_space<vmem>> -> memref<8x8x128xf32, #tpu.memory_space<vmem>>
    tpu.wait_dma2 semaphore(%arg15 : memref<!tpu.dma_semaphore, #tpu.memory_space<semaphore_mem>>) src(%dma_wait3A_220 : memref<8x8x128xf32, #tpu.memory_space<vmem>>) dst(%dma_wait3A_211 : memref<8x8x128xf32, #tpu.memory_space<hbm>>)
    return
  }
}

</mosaic_0001>

<sc_bundles>
// kernel: kernel.3.cloned.1.call-start
scs
__scs_entry_jumppad:
0x0: {  	(pc) =	sbr.rel $0x88, $3  }
0x1: {  	(tag) =	ssettag $0x0;
	lr =	simm.s32 $0x1  }
0x2: {  	[smem:$0x3F9F] =	sst lr;
	_ =	strace $0xD0000000  }
0x3: {  	_ = 	snop  }
0x4: {  	_ = 	snop  }
0x5: {  	_ = 	snop  }
0x6: {  	_ = 	snop  }
0x7: {  	_ = 	snop  }
__scs_overlays_trampoline_lowered:
0x8: {  	[smem:$0x3FAE] =	sst s0  }
0x9: {  	[smem:$0x3FAF] =	sst s1  }
0xa: {  	[smem:$0x3FB0] =	sst s2  }
0xb: {  	[smem:$0x3FB1] =	sst s3  }
0xc: {  	[smem:$0x3FB2] =	sst s4  }
0xd: {  	[smem:$0x3FB3] =	sst s5  }
0xe: {  	[smem:$0x3FB4] =	sst s6  }
0xf: {  	[smem:$0x3FB5] =	sst s7  }
0x10: {  	[smem:$0x3FB6] =	sst s8  }
0x11: {  	[smem:$0x3FB7] =	sst s9;
	s0 =	simm.s32 @!p0 $0x0  }
0x12: {  	s1 =	sld [smem:$0x3F9D];
	s0 =	simm.s32 @p0 $0x1  }
0x13: {  	[smem:$0x3FB8] =	sst s0;
	s0 =	simm.s32 @!p1 $0x0  }
0x14: {  	s2 =	sld [smem:$0x3F9C];
	s0 =	simm.s32 @p1 $0x1  }
0x15: {  	[smem:$0x3FB9] =	sst s0;
	s0 =	simm.s32 @!p2 $0x0  }
0x16: {  	s3 =	sld [smem:$0x3FDB];
	s0 =	simm.s32 @p2 $0x1  }
0x17: {  	s4 =	simm.s32 $0x1BF5;
	[smem:$0x3FBB] =	sst s0  }
0x18: {  	s0 =	sld [smem:$0x3F9E];
	_ =	swait.ge [sflag:s4], $0x0  }
0x19: {  	s7 =	sld [smem:$0x3F9F]  }
0x1a: {  	s8 =	sadd.s32 $0xFFFFE003, lr  }
0x1b: {  	s9 =	sadd.s32 $0xFFFFFEF7, lr;
	s5 =	simm.s32 $0xFFFFFFFF;
	p2 =	slt.u32 s8, $0xFFFFF086  }
0x1c: {  	p1 =	slt.u32 s9, $0xF7A;
	s5 =	simm.s32 @!p2 $0x0  }
0x1d: {  	s5 =	simm.s32 @p1 $0x1;
	p0 =	seq.s32 s7, s2  }
0x1e: {  	s7 =	smul.u32 @!p0 $0xF7A, s2;
	p2 =	seq.s32 @!p0 s5, $0x0  }
0x1f: {  	s9 =	smul.u32 $0xF7A, s1;
	s8 =	simm.s32 @!p0 $0x1BF5;
	p2 =	por !p2, p0  }
0x20: {  	[sflag:s8] =	ssyncset.s32 @!p0 $0xFFFFF086;
	s6 =	sadd.s32 @!p0 s3, s7;
	s7 =	simm.s32 @!p0 $0x108  }
0x21: {  	s3 =	sadd.s32 s3, s9;
	s6 =	sadd.s32 @!p0 $0x88, s6;
	s7 =	simm.s32 @p2 $0x1082  }
0x22: {  	[simem:s7], [sflag:s8] =	dma.local @!p0 [hbm:s6], $0xF7A  }
0x23: {  	s9 =	sor.u32 $0xD0000000, s2;
	s6 =	simm.s32 $0x108;
	_ =	swait.ge @!p0 [sflag:s8], $0x0  }
0x24: {  	s3 =	sadd.s32 $0x88, s3;
	s6 =	simm.s32 @!p1 $0x1082;
	[sflag:s4] =	ssyncset.s32 $0xFFFFF086  }
0x25: {  	[simem:s6], [sflag:s4] =	dma.local [hbm:s3], $0xF7A  }
0x26: {  	[smem:$0x3F9F] =	sst s1;
	(tag) =	ssettag s2;
	_ =	strace s9  }
0x27: {  	s1 =	sld [smem:$0x3FAF]  }
0x28: {  	s2 =	sld [smem:$0x3FB0]  }
0x29: {  	s4 =	sld [smem:$0x3FB2]  }
0x2a: {  	p0 =	seq.s32 s5, $0x0;
	s5 =	sld [smem:$0x3FB3]  }
0x2b: {  	s6 =	sld [smem:$0x3FB4]  }
0x2c: {  	s7 =	sld [smem:$0x3FB5]  }
0x2d: {  	s3 =	simm.s32 $0x108;
	s8 =	sld [smem:$0x3FB6]  }
0x2e: {  	s3 =	simm.s32 @!p0 $0x1082;
	s9 =	sld [smem:$0x3FB7]  }
0x2f: {  	lr =	sadd.s32 s0, s3;
	s0 =	sld [smem:$0x3FAE]  }
0x30: {  	s3 =	sld [smem:$0x3FB1]  }
0x31: {  	[smem:$0x3FBA] =	sst s10  }
0x32: {  	s10 =	sld [smem:$0x3FB8];
	_ =	sdelay $0x3  }
0x33: {  	p0 =	seq.s32 s10, $0x1;
	s10 =	sld [smem:$0x3FBA];
	_ =	sdelay $0x3  }
0x34: {  	[smem:$0x3FBA] =	sst s10  }
0x35: {  	s10 =	sld [smem:$0x3FB9];
	_ =	sdelay $0x3  }
0x36: {  	p1 =	seq.s32 s10, $0x1;
	s10 =	sld [smem:$0x3FBA];
	_ =	sdelay $0x3  }
0x37: {  	[smem:$0x3FBA] =	sst s10  }
0x38: {  	s10 =	sld [smem:$0x3FBB]  }
0x39: {  	_ = 	snop;
	(pc) =	sbr.ind lr, $3  }
0x3a: {  	_ = 	snop  }
0x3b: {  	_ = 	snop  }
0x3c: {  	p2 =	seq.s32 s10, $0x1;
	s10 =	sld [smem:$0x3FBA]  }
0x3d: {  	_ =	shalt  }
0x3e: {  	_ =	shalt  }
0x3f: {  	_ =	shalt  }
0x40: {  	_ =	shalt  }
0x41: {  	_ =	shalt  }
0x42: {  	_ =	shalt  }
0x43: {  	_ =	shalt  }
0x44: {  	_ =	shalt  }
0x45: {  	_ =	shalt  }
0x46: {  	_ =	shalt  }
0x47: {  	_ =	shalt  }
0x48: {  	_ =	shalt  }
0x49: {  	_ =	shalt  }
0x4a: {  	_ =	shalt  }
0x4b: {  	_ =	shalt  }
0x4c: {  	_ =	shalt  }
0x4d: {  	_ =	shalt  }
0x4e: {  	_ =	shalt  }
0x4f: {  	_ =	shalt  }
0x50: {  	_ =	shalt  }
0x51: {  	_ =	shalt  }
0x52: {  	_ =	shalt  }
0x53: {  	_ =	shalt  }
0x54: {  	_ =	shalt  }
0x55: {  	_ =	shalt  }
0x56: {  	_ =	shalt  }
0x57: {  	_ =	shalt  }
0x58: {  	_ =	shalt  }
0x59: {  	_ =	shalt  }
0x5a: {  	_ =	shalt  }
0x5b: {  	_ =	shalt  }
0x5c: {  	_ =	shalt  }
0x5d: {  	_ =	shalt  }
0x5e: {  	_ =	shalt  }
0x5f: {  	_ =	shalt  }
0x60: {  	_ =	shalt  }
0x61: {  	_ =	shalt  }
0x62: {  	_ =	shalt  }
0x63: {  	_ =	shalt  }
0x64: {  	_ =	shalt  }
0x65: {  	_ =	shalt  }
0x66: {  	_ =	shalt  }
0x67: {  	_ =	shalt  }
0x68: {  	_ =	shalt  }
0x69: {  	_ =	shalt  }
0x6a: {  	_ =	shalt  }
0x6b: {  	_ =	shalt  }
0x6c: {  	_ =	shalt  }
0x6d: {  	_ =	shalt  }
0x6e: {  	_ =	shalt  }
0x6f: {  	_ =	shalt  }
0x70: {  	_ =	shalt  }
0x71: {  	_ =	shalt  }
0x72: {  	_ =	shalt  }
0x73: {  	_ =	shalt  }
0x74: {  	_ =	shalt  }
0x75: {  	_ =	shalt  }
0x76: {  	_ =	shalt  }
0x77: {  	_ =	shalt  }
0x78: {  	_ =	shalt  }
0x79: {  	_ =	shalt  }
0x7a: {  	_ =	shalt  }
0x7b: {  	_ =	shalt  }
0x7c: {  	_ =	shalt  }
0x7d: {  	_ =	shalt  }
0x7e: {  	_ =	shalt  }
0x7f: {  	_ =	shalt  }
0x80: {  	_ =	shalt  }
0x81: {  	_ =	shalt  }
0x82: {  	_ =	shalt  }
0x83: {  	_ =	shalt  }
0x84: {  	_ =	shalt  }
0x85: {  	_ =	shalt  }
0x86: {  	_ =	shalt  }
0x87: {  	_ =	shalt  }
.Lfunc_end0:
.L_simem_size_0:
called_computation_lowered:
.L_overlay_start_0:
0x88: {  	s2 =	sld [smem:$0x3FD9]  }
0x89: {  	s3 =	sld [smem:$0x3FFE];
	_ =	sdelay $0x1  }
0x8a: {  	s1 =	srdreg.scid  }
0x8b: {  	s0 =	sand.u32 $0x1, s1  }
0x8c: {  	s17 =	sshll.u32 s0, $0xA;
	s2 =	sadd.s32 s3, s2  }
0x8d: {  	s2 =	sadd.s32 s2, s17  }
0x8e: {  	[smem:$0x3FC6] =	sst s2  }
0x8f: {  	_ = 	snop  }
0x90: {  	s2 =	sld [smem:$0x3FD0];
	(tm) =	ssettm $0x1  }
0x91: {  	s18 =	sld [smem:$0x3FFB];
	_ =	sdelay $0x3  }
0x92: {  	_ =	strace s18  }
0x93: {  	s3 =	sld [smem:$0x3FFC];
	_ =	sdelay $0x3  }
0x94: {  	_ =	strace s3  }
0x95: {  	s3 =	sld [smem:$0x3FFD];
	_ =	sdelay $0x3  }
0x96: {  	_ =	strace s3  }
0x97: {  	_ =	strace $0x8FFFFFFF  }
0x98: {  	s19 =	sld [smem:$0x3FDB];
	_ =	sdelay $0x1  }
0x99: {  	s4 =	simm.s32 $_scs_section_size  }
0x9a: {  	s5 =	simm.s32 $_size__tile_overlayer_lowered;
	s6 =	simm.s32 $_tile_overlayer_lowered  }
0x9b: {  	s22 =	simm.s32 $0x1BFF;
	s21 =	sshll.u32 s6, $0x1;
	s3 =	sadd.s32 s4, s19  }
0x9c: {  	s7 =	simm.s32 $0x0;
	s20 =	sshll.u32 s5, $0x1;
	s5 =	sadd.s32 s21, s3  }
0x9d: {  	[timem:s7], [sflag:s22] =	dma.local [hbm:s5], s20  }
0x9e: {  	_ =	swait.ge [sflag:s22], s20  }
0x9f: {  	s4 =	ssub.s32 $0x0, s20;
	[sflag:s22] =	ssyncset.done $0x0  }
0xa0: {  	[sflag:s22] =	ssyncadd.s32 s4;
	_ =	sdelay $0x1  }
0xa1: {  	s23 =	simm.s32 $0x1B8B  }
0xa2: {  	_ =	swait.ge [sflag:s23], $0x1  }
0xa3: {  	[sflag:s23] =	ssyncset.done $0x0  }
0xa4: {  	s25 =	simm.s32 $0x1B8E;
	s24 =	sld [smem:$0x3FFE];
	[sflag:s23] =	ssyncadd.s32 $0xFFFFFFFF  }
0xa5: {  	s26 =	simm.s32 $execute0_lowered;
	[smem:$0x3FD2] =	sst s25  }
0xa6: {  	s5 =	sshll.u32 s26, $0x1;
	_ =	strace $0x80000046;
	[dreg:$0x1] =	wrdreg $0xFFFFFFFF  }
0xa7: {  	s28 =	simm.s32 $_size_execute0_lowered;
	s3 =	sadd.s32 s3, s5;
	[dreg:$0x0] =	wrdreg $0x0  }
0xa8: {  	s5 =	sshll.u32 s28, $0x1;
	[dreg:$0x2] =	wrdreg s3  }
0xa9: {  	[dreg:$0x3] =	wrdreg s5  }
0xaa: {  	[dreg:$0x4] =	wrdreg $0xC0  }
0xab: {  	_ =	task [dreg:s7], $0x5FFFF  }
0xac: {  	[dreg:$0x1] =	wrdreg $0xFFFFFFFF  }
0xad: {  	[dreg:$0x0] =	wrdreg $0x60  }
0xae: {  	[dreg:$0x2] =	wrdreg s24  }
0xaf: {  	[dreg:$0x3] =	wrdreg s2  }
0xb0: {  	[dreg:$0x4] =	wrdreg $0x9  }
0xb1: {  	_ =	task.clear_ibuf [dreg:s7], $0x5FFFF;
	_ =	strace $0x90000046  }
0xb2: {  	s29 =	simm.s32 $0x9;
	_ =	strace $0x80000048  }
0xb3: {  	_ =	swait.ge [sflag:s29], $0x1  }
0xb4: {  	[sflag:s29] =	ssyncadd.s32 $0xFFFFFFFF  }
0xb5: {  	_ =	strace $0x90000048  }
0xb6: {  	_ =	sfence  }
0xb7: {  	s30 =	sld [smem:$0x0];
	_ =	sdelay $0x2  }
0xb8: {  	s31 =	sshll.u32 s1, $0xD;
	s1 =	sshrl.u32 s1, $0x2  }
0xb9: {  	s3 =	sand.u32 $0x4000, s31;
	s1 =	sadd.s32 s1, s30  }
0xba: {  	s0 =	sor.u32 s3, s0;
	s1 =	sshll.u32 s1, $0x11  }
0xbb: {  	s0 =	sor.u32 s1, s0  }
0xbc: {  	s0 =	sadd.s32 $0x8F2B, s0  }
0xbd: {  	[sflag:s0] =	ssyncadd.remote.s32 $0x1  }
0xbe: {  	_ =	sfence.sel $0xFFFF  }
0xbf: {  	[dreg:$0x0] =	wrdreg $0xFFFFFFFF;
	(pc) =	sbr.abs _section_cstart, $3  }
0xc0: {  	[dreg:$0x1] =	wrdreg $0xFFFFFFFF  }
0xc1: {  	_ =	task.clear_ibuf [dreg:s7], $0x2FFFF;
	_ =	strace $0x9FFFFFFF  }
0xc2: {  	(tm) =	ssettm $0x7FFFFFFF  }
0xc3: {  	_ =	shalt  }
tec
execute0_lowered:
.L_overlay_start_1:
0x0: {  	(tag) =	ssettag $0x1  }
0x1: {  	s0 =	rddreg [dreg:$0x0]  }
0x2: {  	s2 =	rddreg [dreg:$0x1]  }
0x3: {  	s1 =	srdreg.scid;
	s4 =	stileid.u32;
	s3 =	simm.s32 $0x0  }
0x4: {  	s9 =	simm.s32 $0x80;
	s14 =	simm.s32 $0xA400;
	s15 =	simm.s32 $0x1  }
0x5: {  	s16 =	simm.s32 $0xE400;
	s17 =	simm.s32 $0xC400;
	s18 =	simm.s32 $0x2  }
0x6: {  	s19 =	simm.s32 $0x10600;
	s20 =	simm.s32 $0x5;
	s21 =	simm.s32 $0x3  }
0x7: {  	s22 =	simm.s32 $0x12800;
	s23 =	simm.s32 $0x6;
	s24 =	simm.s32 $0x4  }
0x8: {  	s25 =	simm.s32 $0x14A00;
	s1 =	sand.u32 $0x1, s1;
	s4 =	sshll.u32 s4, $0x1  }
0x9: {  	s26 =	simm.s32 $0x7;
	s28 =	simm.s32 $0x8;
	s5 =	sor.u32 s1, s4  }
0xa: {  	s29 =	simm.s32 $0x0;
	s1 =	ssub.s32 $0x2, s1;
	s4 =	sshll.u32 s5, $0x4  }
0xb: {  	v0 =	vlaneseq.u32;
	[smem:$0x7FF] =	sst s3;
	s6 =	sshrl.u32 s1, $0x1;
	s7 =	sadd.s32 s4, s0  }
0xc: {  	v0 =	vmul.u32 $0x88, v0;
	_ =	strace $0x80000047;
	s30 =	ssub.s32 s1, s6;
	s31 =	sadd.s32 $0x600, s7  }
0xd: {  	s4 =	sadd.s32 $0xF42A00, s0;
	s0 =	smax.u32 s30, $0x1;
	[dreg:$0x3] =	wrdreg s31  }
0xe: {  	v1 =	vadd.s32 $0x880, v0;
	v2 =	vadd.s32 $0x1100, v0;
	v3 =	vadd.s32 $0x1980, v0;
	s6 =	sshll.u32 s5, $0xA;
	s7 =	sadd.s32 $0x8000, s2;
	[dreg:$0x4] =	wrdreg s0  }
.LBB2_1:
0xf: {  	s0 =	rddreg [dreg:$0x3];
	s1 =	simm.s32 $0x1000;
	s12 =	simm.s32 $0x9  }
0x10: {  	[tilespmem:s3], [sflag:$0x9] =	stream.strided.gather [hbm4b:s0+s9], $0x6400, s1, s9, $0x38;
	[tilespmem:$0x16C00] =	vst v63  }
0x11: {  	_ =	swait.ge [sflag:s12], $0x6400  }
0x12: {  	[sflag:s12] =	ssyncset.done $0x0  }
0x13: {  	s13 =	simm.s32 $0x6400;
	[sflag:s12] =	ssyncadd.s32 $0xFFFF9C00  }
0x14: {  	[tilespmem:s13], [sflag:$0x1] =	stream.indirect.gather [hbm4b:s4+s9], $0x40, s3, s9, $0xb8;
	[tilespmem:$0x16C00] =	vst v63  }
0x15: {  	s31 =	simm.s32 $0x8400;
	s30 =	simm.s32 $0x0  }
0x16: {  	[tilespmem:s31], [sflag:$0x2] =	stream.indirect.gather [hbm4b:s4+s9], $0x40, s9, s9, $0xb8;
	[tilespmem:$0x16C00] =	vst v63  }
.LBB2_2:
0x17: {  	p0 =	seq.s32 s30, $0x0  }
0x18: {  	s0 =	sshll.u32 s30, $0x2;
	s1 =	simm.s32 @!p0 $0x7  }
0x19: {  	s31 =	sor.u32 $0x2, s0;
	_ =	swait.ge @!p0 [sflag:s1], $0x2000  }
0x1a: {  	s5 =	sshll.u32 s31, $0x7;
	[sflag:s1] =	ssyncset.done @!p0 $0x0  }
0x1b: {  	s13 =	sand.u32 $0x3FFFFF80, s5;
	[sflag:s1] =	ssyncadd.s32 @!p0 $0xFFFFE000  }
0x1c: {  	[tilespmem:s14], [sflag:$0x3] =	stream.indirect.gather [hbm4b:s4+s9], $0x40, s13, s9, $0xb8;
	[tilespmem:$0x16C00] =	vst v63  }
0x1d: {  	_ =	swait.ge [sflag:s15], $0x2000  }
0x1e: {  	[sflag:s15] =	ssyncset.done $0x0  }
0x1f: {  	s5 =	simm.s32 $0x3;
	s13 =	simm.s32 $0x6480;
	[sflag:s15] =	ssyncadd.s32 $0xFFFFE000  }
0x20: {  	v4 =	vmov s5;
	v5 =	vld [tilespmem:s13+$0x40]  }
0x21: {  	v9 =	vand.u32 $0x7F, v4  }
0x22: {  	s8 =	simm.s32 $0x0;
	v4 =	vadd.s32 v0, v9  }
0x23: {  	s10 =	simm.s32 $0x1;
	s11 =	simm.s32 $0x2;
	v6 =	vmov s8;
	v7 =	vld [tilespmem:s13+$0xFFFFFF80]  }
0x24: {  	v11 =	vmov s11;
	v8 =	vand.u32 $0x7C, v6;
	v6 =	vmov s10;
	v10 =	vld [tilespmem:s13+$0xFFFFFFC0]  }
0x25: {  	v12 =	vadd.s32 v0, v8;
	v15 =	vand.u32 $0x7D, v6;
	v6 =	vld [tilespmem:s13+$0x0];
	v5 =	vmul.f32 $8.000000000e+00, v5  }
0x26: {  	v17 =	vand.u32 $0x7E, v11;
	v13 =	vadd.s32 v0, v15  }
0x27: {  	v11 =	vadd.s32 v0, v17;
	[tilespmem:v4+s16+$0x0] =	vst.idx.msk $0xffff, v5  }
0x28: {  	v4 =	vmul.f32 $8.000000000e+00, v7;
	v5 =	vld [tilespmem:s13+$0x50]  }
0x29: {  	v7 =	vmul.f32 $8.000000000e+00, v10  }
0x2a: {  	[tilespmem:v12+s16+$0x0] =	vst.idx.msk $0xffff, v4;
	v4 =	vmul.f32 $8.000000000e+00, v6;
	v6 =	vadd.s32 v1, v9  }
0x2b: {  	[tilespmem:v13+s16+$0x0] =	vst.idx.msk $0xffff, v7;
	v10 =	vld [tilespmem:s13+$0xFFFFFF90]  }
0x2c: {  	v7 =	vld [tilespmem:s13+$0xFFFFFFD0];
	[tilespmem:v11+s16+$0x0] =	vst.idx.msk $0xffff, v4  }
0x2d: {  	v11 =	vld [tilespmem:s13+$0x10];
	v4 =	vmul.f32 $8.000000000e+00, v5  }
0x2e: {  	s12 =	simm.s32 $0x4;
	s8 =	simm.s32 $0x7;
	s1 =	simm.s32 $0x6580;
	v12 =	vadd.s32 v1, v15  }
0x2f: {  	v14 =	vld [tilespmem:s1+$0x40];
	v13 =	vadd.s32 v1, v17;
	v5 =	vmov s12;
	[tilespmem:v6+s16+$0x0] =	vst.idx.msk $0xffff, v4;
	v6 =	vmov s8  }
0x30: {  	v16 =	vadd.s32 v1, v8;
	v4 =	vand.u32 $0x7C, v5;
	v5 =	vand.u32 $0x7F, v6;
	v18 =	vld [tilespmem:s13+$0x60]  }
0x31: {  	v22 =	vadd.s32 v2, v9;
	v19 =	vld [tilespmem:s1+$0xFFFFFF80];
	s8 =	simm.s32 $0x5;
	v6 =	vmul.f32 $8.000000000e+00, v7;
	v20 =	vadd.s32 v0, v5  }
0x32: {  	s10 =	simm.s32 $0x6;
	v21 =	vld [tilespmem:s1+$0xFFFFFFC0];
	v10 =	vmul.f32 $8.000000000e+00, v10;
	v7 =	vmul.f32 $8.000000000e+00, v11;
	v11 =	vmov s8  }
0x33: {  	v23 =	vadd.s32 v0, v4;
	[tilespmem:v12+s16+$0x0] =	vst.idx.msk $0xffff, v6;
	v12 =	vmov s10;
	v6 =	vand.u32 $0x7D, v11;
	v11 =	vld [tilespmem:s1+$0x0]  }
0x34: {  	[tilespmem:v13+s16+$0x0] =	vst.idx.msk $0xffff, v7;
	v13 =	vadd.s32 v0, v6;
	v7 =	vand.u32 $0x7E, v12;
	v12 =	vmul.f32 $8.000000000e+00, v14;
	v14 =	vld [tilespmem:s13+$0xFFFFFFE0]  }
0x35: {  	[tilespmem:v16+s16+$0x0] =	vst.idx.msk $0xffff, v10;
	v10 =	vadd.s32 v0, v7;
	v16 =	vld [tilespmem:s13+$0x20];
	v18 =	vmul.f32 $8.000000000e+00, v18  }
0x36: {  	v19 =	vmul.f32 $8.000000000e+00, v19;
	[tilespmem:v20+s16+$0x0] =	vst.idx.msk $0xffff, v12;
	v12 =	vld [tilespmem:s13+$0xFFFFFFA0];
	v20 =	vadd.s32 v2, v15  }
0x37: {  	v25 =	vadd.s32 v2, v17;
	v21 =	vmul.f32 $8.000000000e+00, v21;
	v24 =	vld [tilespmem:s1+$0x50];
	[tilespmem:v22+s16+$0x0] =	vst.idx.msk $0xffff, v18  }
0x38: {  	[tilespmem:v23+s16+$0x0] =	vst.idx.msk $0xffff, v19;
	v19 =	vadd.s32 v2, v8;
	v11 =	vmul.f32 $8.000000000e+00, v11;
	v22 =	vld [tilespmem:s13+$0x70]  }
0x39: {  	v23 =	vld [tilespmem:s1+$0xFFFFFF90];
	[tilespmem:v13+s16+$0x0] =	vst.idx.msk $0xffff, v21;
	v21 =	vadd.s32 v1, v5;
	v14 =	vmul.f32 $8.000000000e+00, v14  }
0x3a: {  	v27 =	vadd.s32 v3, v9;
	v26 =	vld [tilespmem:s1+$0xFFFFFFD0];
	[tilespmem:v10+s16+$0x0] =	vst.idx.msk $0xffff, v11;
	v10 =	vmul.f32 $8.000000000e+00, v16  }
0x3b: {  	v18 =	vadd.s32 v1, v4;
	v13 =	vld [tilespmem:s1+$0x10];
	v9 =	vmul.f32 $8.000000000e+00, v12;
	[tilespmem:v20+s16+$0x0] =	vst.idx.msk $0xffff, v14  }
0x3c: {  	s12 =	simm.s32 $0x8;
	v16 =	vadd.s32 v1, v6;
	[tilespmem:v25+s16+$0x0] =	vst.idx.msk $0xffff, v10;
	v14 =	vmul.f32 $8.000000000e+00, v24;
	v12 =	vld [tilespmem:s13+$0xFFFFFFF0]  }
0x3d: {  	v20 =	vmov s12;
	v10 =	vadd.s32 v1, v7;
	v11 =	vld [tilespmem:s13+$0x30];
	[tilespmem:v19+s16+$0x0] =	vst.idx.msk $0xffff, v9;
	v63 =	vmul.f32 $8.000000000e+00, v22  }
0x3e: {  	s11 =	simm.s32 $0xB;
	s10 =	simm.s32 $0x6680;
	v15 =	vadd.s32 v3, v15;
	v9 =	vand.u32 $0x7C, v20;
	v20 =	vmul.f32 $8.000000000e+00, v23;
	[tilespmem:v21+s16+$0x0] =	vst.idx.msk $0xffff, v14;
	v14 =	vld [tilespmem:s13+$0xFFFFFFB0]  }
0x3f: {  	s5 =	simm.s32 $0xC;
	v17 =	vadd.s32 v3, v17;
	v22 =	vmov s11;
	v19 =	vld [tilespmem:s10+$0x40];
	v21 =	vmul.f32 $8.000000000e+00, v26;
	[tilespmem:v27+s16+$0x0] =	vst.idx.msk $0xffff, v63  }
.LBB2_3:
0x40: {  	p1 =	slt.u32 s5, $0x7C;
	s8 =	sadd.s32 $0x1, s12;
	v22 =	vand.u32 $0x7F, v22;
	[tilespmem:v18+s16+$0x0] =	vst.idx.msk $0xffff, v20;
	v13 =	vmul.f32 $8.000000000e+00, v13;
	v18 =	vld [tilespmem:s1+$0x60];
	v20 =	vadd.s32 v3, v8;
	v8 =	vmovc v4  }
0x41: {  	v4 =	vmovc v9;
	v23 =	vld [tilespmem:s10+$0xFFFFFF80];
	v24 =	vmov s8;
	s8 =	sadd.s32 $0x2, s12;
	v25 =	vadd.s32 v0, v22;
	[tilespmem:v16+s16+$0x0] =	vst.idx.msk $0xffff, v21;
	v12 =	vmul.f32 $8.000000000e+00, v12;
	s12 =	smov.u32 s5  }
0x42: {  	v9 =	vld [tilespmem:s10+$0xFFFFFFC0];
	v16 =	vmov s8;
	[tilespmem:v10+s16+$0x0] =	vst.idx.msk $0xffff, v13;
	v10 =	vadd.s32 v2, v5;
	v11 =	vmul.f32 $8.000000000e+00, v11  }
0x43: {  	v13 =	vadd.s32 v0, v4;
	v21 =	vand.u32 $0x7D, v24;
	v24 =	vld [tilespmem:s10+$0x0];
	v14 =	vmul.f32 $8.000000000e+00, v14;
	[tilespmem:v15+s16+$0x0] =	vst.idx.msk $0xffff, v12  }
0x44: {  	v12 =	vadd.s32 v0, v21;
	v26 =	vand.u32 $0x7E, v16;
	v15 =	vmul.f32 $8.000000000e+00, v19;
	v16 =	vld [tilespmem:s1+$0xFFFFFFE0];
	[tilespmem:v17+s16+$0x0] =	vst.idx.msk $0xffff, v11  }
0x45: {  	v11 =	vadd.s32 v0, v26;
	v17 =	vld [tilespmem:s1+$0x20];
	v18 =	vmul.f32 $8.000000000e+00, v18;
	[tilespmem:v20+s16+$0x0] =	vst.idx.msk $0xffff, v14  }
0x46: {  	v19 =	vadd.s32 v2, v6;
	v14 =	vmul.f32 $8.000000000e+00, v23;
	[tilespmem:v25+s16+$0x0] =	vst.idx.msk $0xffff, v15;
	v15 =	vld [tilespmem:s1+$0xFFFFFFA0]  }
0x47: {  	v23 =	vadd.s32 v2, v7;
	v9 =	vmul.f32 $8.000000000e+00, v9;
	v20 =	vld [tilespmem:s10+$0x50];
	[tilespmem:v10+s16+$0x0] =	vst.idx.msk $0xffff, v18  }
0x48: {  	[tilespmem:v13+s16+$0x0] =	vst.idx.msk $0xffff, v14;
	v10 =	vmul.f32 $8.000000000e+00, v24;
	v14 =	vadd.s32 v2, v8;
	v24 =	vld [tilespmem:s1+$0x70]  }
0x49: {  	v27 =	vadd.s32 v1, v22;
	v25 =	vld [tilespmem:s10+$0xFFFFFF90];
	[tilespmem:v12+s16+$0x0] =	vst.idx.msk $0xffff, v9;
	v9 =	vmul.f32 $8.000000000e+00, v16  }
0x4a: {  	v29 =	vadd.s32 v3, v5;
	v5 =	vmov v22;
	v28 =	vld [tilespmem:s10+$0xFFFFFFD0];
	[tilespmem:v11+s16+$0x0] =	vst.idx.msk $0xffff, v10;
	v10 =	vmul.f32 $8.000000000e+00, v17  }
.Ltmp0:
0x4b: {  	v18 =	vadd.s32 v1, v4;
	v13 =	vld [tilespmem:s10+$0x10];
	v11 =	vmul.f32 $8.000000000e+00, v15;
	[tilespmem:v19+s16+$0x0] =	vst.idx.msk $0xffff, v9;
	(pc) =	sbr.rel @p1 .LBB2_3-.Ltmp0, $4  }
0x4c: {  	v16 =	vadd.s32 v1, v21;
	v15 =	vmul.f32 $8.000000000e+00, v20;
	v12 =	vld [tilespmem:s1+$0xFFFFFFF0];
	[tilespmem:v23+s16+$0x0] =	vst.idx.msk $0xffff, v10  }
0x4d: {  	v9 =	vmov s5;
	v10 =	vadd.s32 v1, v26;
	[tilespmem:v14+s16+$0x0] =	vst.idx.msk $0xffff, v11;
	v11 =	vld [tilespmem:s1+$0x30];
	v23 =	vmul.f32 $8.000000000e+00, v24  }
0x4e: {  	s8 =	sadd.s32 $0x3, s5;
	v9 =	vand.u32 $0x7C, v9;
	v20 =	vmul.f32 $8.000000000e+00, v25;
	[tilespmem:v27+s16+$0x0] =	vst.idx.msk $0xffff, v15;
	v14 =	vld [tilespmem:s1+$0xFFFFFFB0];
	v15 =	vadd.s32 v3, v6;
	v6 =	vmovc v21;
	s1 =	smov.u32 s10;
	s10 =	sadd.s32 $0x100, s10  }
0x4f: {  	v22 =	vmov s8;
	v17 =	vadd.s32 v3, v7;
	v7 =	vmovc v26;
	s5 =	sadd.s32 $0x4, s5;
	v19 =	vld [tilespmem:s10+$0x40];
	v21 =	vmul.f32 $8.000000000e+00, v28;
	[tilespmem:v29+s16+$0x0] =	vst.idx.msk $0xffff, v23  }
0x50: {  	s5 =	sadd.s32 $0x1, s12;
	v22 =	vand.u32 $0x7F, v22;
	v28 =	vld [tilespmem:s10+$0xFFFFFF80]  }
0x51: {  	s13 =	sadd.s32 $0x2, s12;
	v24 =	vld [tilespmem:s10+$0xFFFFFFC0];
	v23 =	vmov s5;
	v25 =	vadd.s32 v0, v22  }
0x52: {  	v27 =	vld [tilespmem:s10+$0x0];
	v51 =	vadd.s32 v0, v9;
	v26 =	vmov s13;
	v23 =	vand.u32 $0x7D, v23  }
0x53: {  	v26 =	vand.u32 $0x7E, v26;
	v29 =	vadd.s32 v0, v23  }
0x54: {  	[tilespmem:v18+s16+$0x0] =	vst.idx.msk $0xffff, v20;
	v30 =	vadd.s32 v0, v26;
	v19 =	vmul.f32 $8.000000000e+00, v19  }
0x55: {  	[tilespmem:v16+s16+$0x0] =	vst.idx.msk $0xffff, v21;
	v54 =	vmul.f32 $8.000000000e+00, v28  }
0x56: {  	v52 =	vmul.f32 $8.000000000e+00, v24;
	[tilespmem:v25+s16+$0x0] =	vst.idx.msk $0xffff, v19  }
0x57: {  	v53 =	vmul.f32 $8.000000000e+00, v27;
	v55 =	vld [tilespmem:s10+$0x50];
	[tilespmem:v51+s16+$0x0] =	vst.idx.msk $0xffff, v54  }
0x58: {  	v13 =	vmul.f32 $8.000000000e+00, v13;
	v8 =	vadd.s32 v3, v8;
	[tilespmem:v29+s16+$0x0] =	vst.idx.msk $0xffff, v52;
	v59 =	vld [tilespmem:s10+$0xFFFFFF90]  }
0x59: {  	v12 =	vmul.f32 $8.000000000e+00, v12;
	v57 =	vadd.s32 v1, v22;
	[tilespmem:v30+s16+$0x0] =	vst.idx.msk $0xffff, v53;
	v56 =	vld [tilespmem:s10+$0xFFFFFFD0]  }
0x5a: {  	[tilespmem:v10+s16+$0x0] =	vst.idx.msk $0xffff, v13;
	v58 =	vmul.f32 $8.000000000e+00, v11;
	v28 =	vadd.s32 v1, v9;
	v19 =	vld [tilespmem:s10+$0x10]  }
0x5b: {  	v61 =	vld [tilespmem:s1+$0x60];
	v60 =	vadd.s32 v1, v23;
	v14 =	vmul.f32 $8.000000000e+00, v14;
	[tilespmem:v15+s16+$0x0] =	vst.idx.msk $0xffff, v12  }
0x5c: {  	v32 =	vld [tilespmem:s1+$0xFFFFFFA0];
	v62 =	vadd.s32 v1, v26;
	[tilespmem:v17+s16+$0x0] =	vst.idx.msk $0xffff, v58;
	v16 =	vmul.f32 $8.000000000e+00, v55  }
0x5d: {  	[tilespmem:v8+s16+$0x0] =	vst.idx.msk $0xffff, v14;
	v29 =	vadd.s32 v2, v5;
	v30 =	vld [tilespmem:s1+$0x20];
	v11 =	vmul.f32 $8.000000000e+00, v59  }
0x5e: {  	v38 =	vadd.s32 v2, v4;
	v63 =	vld [tilespmem:s1+$0xFFFFFFE0];
	v31 =	vmul.f32 $8.000000000e+00, v56;
	[tilespmem:v57+s16+$0x0] =	vst.idx.msk $0xffff, v16  }
0x5f: {  	v35 =	vadd.s32 v2, v7;
	v34 =	vmul.f32 $8.000000000e+00, v19;
	v36 =	vld [tilespmem:s10+$0x60];
	[tilespmem:v28+s16+$0x0] =	vst.idx.msk $0xffff, v11  }
0x60: {  	v33 =	vadd.s32 v2, v6;
	v37 =	vmul.f32 $8.000000000e+00, v61;
	[tilespmem:v60+s16+$0x0] =	vst.idx.msk $0xffff, v31;
	v43 =	vld [tilespmem:s10+$0xFFFFFFA0]  }
0x61: {  	v40 =	vadd.s32 v2, v22;
	v14 =	vmul.f32 $8.000000000e+00, v32;
	[tilespmem:v62+s16+$0x0] =	vst.idx.msk $0xffff, v34;
	v39 =	vld [tilespmem:s10+$0xFFFFFFE0]  }
0x62: {  	v48 =	vadd.s32 v2, v9;
	[tilespmem:v29+s16+$0x0] =	vst.idx.msk $0xffff, v37;
	v42 =	vmul.f32 $8.000000000e+00, v30;
	v41 =	vld [tilespmem:s10+$0x20]  }
0x63: {  	v44 =	vadd.s32 v2, v23;
	v15 =	vmul.f32 $8.000000000e+00, v63;
	[tilespmem:v38+s16+$0x0] =	vst.idx.msk $0xffff, v14;
	v45 =	vld [tilespmem:s1+$0x70]  }
0x64: {  	v46 =	vadd.s32 v2, v26;
	v14 =	vld [tilespmem:s1+$0xFFFFFFB0];
	[tilespmem:v35+s16+$0x0] =	vst.idx.msk $0xffff, v42;
	v47 =	vmul.f32 $8.000000000e+00, v36  }
0x65: {  	v5 =	vadd.s32 v3, v5;
	[tilespmem:v33+s16+$0x0] =	vst.idx.msk $0xffff, v15;
	v49 =	vld [tilespmem:s1+$0x30];
	v53 =	vmul.f32 $8.000000000e+00, v43  }
0x66: {  	v4 =	vadd.s32 v3, v4;
	v21 =	vld [tilespmem:s1+$0xFFFFFFF0];
	v12 =	vmul.f32 $8.000000000e+00, v39;
	[tilespmem:v40+s16+$0x0] =	vst.idx.msk $0xffff, v47  }
0x67: {  	v52 =	vadd.s32 v3, v7;
	v51 =	vmul.f32 $8.000000000e+00, v41;
	v10 =	vld [tilespmem:s10+$0x70];
	[tilespmem:v48+s16+$0x0] =	vst.idx.msk $0xffff, v53  }
0x68: {  	v50 =	vadd.s32 v3, v6;
	v54 =	vmul.f32 $8.000000000e+00, v45;
	[tilespmem:v44+s16+$0x0] =	vst.idx.msk $0xffff, v12;
	v59 =	vld [tilespmem:s10+$0xFFFFFFB0]  }
0x69: {  	v57 =	vadd.s32 v3, v22;
	v14 =	vmul.f32 $8.000000000e+00, v14;
	[tilespmem:v46+s16+$0x0] =	vst.idx.msk $0xffff, v51;
	v55 =	vld [tilespmem:s10+$0xFFFFFFF0]  }
0x6a: {  	v62 =	vadd.s32 v3, v9;
	[tilespmem:v5+s16+$0x0] =	vst.idx.msk $0xffff, v54;
	v5 =	vmul.f32 $8.000000000e+00, v49;
	v58 =	vld [tilespmem:s10+$0x30]  }
0x6b: {  	v56 =	vmul.f32 $8.000000000e+00, v21;
	v60 =	vadd.s32 v3, v23;
	[tilespmem:v4+s16+$0x0] =	vst.idx.msk $0xffff, v14  }
0x6c: {  	v61 =	vadd.s32 v3, v26;
	[tilespmem:v52+s16+$0x0] =	vst.idx.msk $0xffff, v5;
	v5 =	vmul.f32 $8.000000000e+00, v10  }
0x6d: {  	[tilespmem:v50+s16+$0x0] =	vst.idx.msk $0xffff, v56;
	v63 =	vmul.f32 $8.000000000e+00, v59  }
0x6e: {  	s5 =	sshll.u32 s30, $0x14;
	v4 =	vmul.f32 $8.000000000e+00, v55;
	[tilespmem:v57+s16+$0x0] =	vst.idx.msk $0xffff, v5  }
0x6f: {  	s1 =	sor.u32 s6, s5;
	v5 =	vmul.f32 $8.000000000e+00, v58;
	[tilespmem:v62+s16+$0x0] =	vst.idx.msk $0xffff, v63  }
0x70: {  	s1 =	sshrl.u32 s1, $0x3;
	[tilespmem:v60+s16+$0x0] =	vst.idx.msk $0xffff, v4  }
0x71: {  	s8 =	simm.s32 $0xE400;
	s10 =	sadd.s32 s2, s1;
	[tilespmem:v61+s16+$0x0] =	vst.idx.msk $0xffff, v5  }
0x72: {  	[hbm4b:s10+s3] =	stream.linear.scatter [tilespmem:s8], [sflag:$0x5], $0x80, $0x38;
	[tilespmem:$0x16C00] =	vst v63  }
0x73: {  	s11 =	simm.s32 $0xE488;
	s8 =	sadd.s32 $0x10, s10  }
0x74: {  	[hbm4b:s8+s3] =	stream.linear.scatter [tilespmem:s11], [sflag:$0x5], $0x80, $0x38;
	[tilespmem:$0x16C00] =	vst v63  }
0x75: {  	s12 =	simm.s32 $0xE510;
	s13 =	sadd.s32 $0x20, s10  }
0x76: {  	[hbm4b:s13+s3] =	stream.linear.scatter [tilespmem:s12], [sflag:$0x5], $0x80, $0x38;
	[tilespmem:$0x16C00] =	vst v63  }
0x77: {  	s8 =	simm.s32 $0xE598;
	s11 =	sadd.s32 $0x30, s10  }
0x78: {  	[hbm4b:s11+s3] =	stream.linear.scatter [tilespmem:s8], [sflag:$0x5], $0x80, $0x38;
	[tilespmem:$0x16C00] =	vst v63  }
0x79: {  	s12 =	simm.s32 $0xE620;
	s13 =	sadd.s32 $0x40, s10  }
0x7a: {  	[hbm4b:s13+s3] =	stream.linear.scatter [tilespmem:s12], [sflag:$0x5], $0x80, $0x38;
	[tilespmem:$0x16C00] =	vst v63  }
0x7b: {  	s5 =	simm.s32 $0x440;
	s8 =	simm.s32 $0xE6A8;
	s11 =	sadd.s32 $0x50, s10  }
0x7c: {  	[hbm4b:s11+s3] =	stream.linear.scatter [tilespmem:s8], [sflag:$0x5], $0x80, $0x38;
	[tilespmem:$0x16C00] =	vst v63  }
0x7d: {  	s12 =	simm.s32 $0xE730;
	s13 =	sadd.s32 $0x60, s10;
	s8 =	sadd.s32 $0x70, s10  }
0x7e: {  	[hbm4b:s13+s3] =	stream.linear.scatter [tilespmem:s12], [sflag:$0x5], $0x80, $0x38;
	[tilespmem:$0x16C00] =	vst v63  }
0x7f: {  	s10 =	sadd.s32 $0x1000, s10;
	s12 =	simm.s32 $0x2200;
	s13 =	simm.s32 $0xE7B8  }
.LBB2_5:
0x80: {  	[hbm4b:s8+s3] =	stream.linear.scatter [tilespmem:s13], [sflag:$0x5], $0x80, $0x38;
	[tilespmem:$0x16C00] =	vst v63  }
0x81: {  	s8 =	smov.u32 s5;
	s5 =	smov.u32 s12  }
0x82: {  	s11 =	sadd.s32 $0x1100, s12;
	s5 =	sshra.s32 s5, $0x2;
	s13 =	sadd.s32 $0xE400, s8  }
0x83: {  	[hbm4b:s10+s3] =	stream.linear.scatter [tilespmem:s13], [sflag:$0x5], $0x80, $0x38;
	[tilespmem:$0x16C00] =	vst v63  }
0x84: {  	p1 =	sne.s32 s12, $0x7700;
	s12 =	sadd.s32 $0xE488, s8;
	s13 =	sadd.s32 $0x10, s10  }
0x85: {  	[hbm4b:s13+s3] =	stream.linear.scatter [tilespmem:s12], [sflag:$0x5], $0x80, $0x38;
	[tilespmem:$0x16C00] =	vst v63  }
0x86: {  	s12 =	sadd.s32 $0xE510, s8;
	s13 =	sadd.s32 $0x20, s10  }
0x87: {  	[hbm4b:s13+s3] =	stream.linear.scatter [tilespmem:s12], [sflag:$0x5], $0x80, $0x38;
	[tilespmem:$0x16C00] =	vst v63  }
0x88: {  	s12 =	sadd.s32 $0xE598, s8;
	s13 =	sadd.s32 $0x30, s10  }
0x89: {  	[hbm4b:s13+s3] =	stream.linear.scatter [tilespmem:s12], [sflag:$0x5], $0x80, $0x38;
	[tilespmem:$0x16C00] =	vst v63  }
0x8a: {  	s12 =	sadd.s32 $0xE620, s8;
	s13 =	sadd.s32 $0x40, s10  }
0x8b: {  	[hbm4b:s13+s3] =	stream.linear.scatter [tilespmem:s12], [sflag:$0x5], $0x80, $0x38;
	[tilespmem:$0x16C00] =	vst v63  }
0x8c: {  	s12 =	sadd.s32 $0xE6A8, s8;
	s13 =	sadd.s32 $0x50, s10  }
0x8d: {  	[hbm4b:s13+s3] =	stream.linear.scatter [tilespmem:s12], [sflag:$0x5], $0x80, $0x38;
	[tilespmem:$0x16C00] =	vst v63  }
.Ltmp1:
0x8e: {  	_ = 	snop;
	(pc) =	sbr.rel @p1 .LBB2_5-.Ltmp1, $4  }
0x8f: {  	s12 =	sadd.s32 $0xE730, s8;
	s13 =	sadd.s32 $0x60, s10  }
0x90: {  	[hbm4b:s13+s3] =	stream.linear.scatter [tilespmem:s12], [sflag:$0x5], $0x80, $0x38;
	[tilespmem:$0x16C00] =	vst v63  }
0x91: {  	s13 =	sadd.s32 $0xE7B8, s8  }
0x92: {  	s8 =	sadd.s32 $0x70, s10;
	s10 =	sadd.s32 $0x1000, s10;
	s12 =	smov.u32 s11  }
0x93: {  	[hbm4b:s8+s3] =	stream.linear.scatter [tilespmem:s13], [sflag:$0x5], $0x80, $0x38;
	[tilespmem:$0x16C00] =	vst v63  }
0x94: {  	s12 =	sadd.s32 $0xE400, s5  }
0x95: {  	[hbm4b:s10+s3] =	stream.linear.scatter [tilespmem:s12], [sflag:$0x5], $0x80, $0x38;
	[tilespmem:$0x16C00] =	vst v63  }
0x96: {  	s13 =	sadd.s32 $0xE488, s5;
	s11 =	sadd.s32 $0x10, s10  }
0x97: {  	[hbm4b:s11+s3] =	stream.linear.scatter [tilespmem:s13], [sflag:$0x5], $0x80, $0x38;
	[tilespmem:$0x16C00] =	vst v63  }
0x98: {  	s12 =	sadd.s32 $0xE510, s5;
	s13 =	sadd.s32 $0x20, s10  }
0x99: {  	[hbm4b:s13+s3] =	stream.linear.scatter [tilespmem:s12], [sflag:$0x5], $0x80, $0x38;
	[tilespmem:$0x16C00] =	vst v63  }
0x9a: {  	s12 =	sadd.s32 $0xE598, s5;
	s13 =	sadd.s32 $0x30, s10  }
0x9b: {  	[hbm4b:s13+s3] =	stream.linear.scatter [tilespmem:s12], [sflag:$0x5], $0x80, $0x38;
	[tilespmem:$0x16C00] =	vst v63  }
0x9c: {  	s12 =	sadd.s32 $0xE620, s5;
	s13 =	sadd.s32 $0x40, s10  }
0x9d: {  	[hbm4b:s13+s3] =	stream.linear.scatter [tilespmem:s12], [sflag:$0x5], $0x80, $0x38;
	[tilespmem:$0x16C00] =	vst v63  }
0x9e: {  	s12 =	sadd.s32 $0xE6A8, s5;
	s13 =	sadd.s32 $0x50, s10  }
0x9f: {  	[hbm4b:s13+s3] =	stream.linear.scatter [tilespmem:s12], [sflag:$0x5], $0x80, $0x38;
	[tilespmem:$0x16C00] =	vst v63  }
0xa0: {  	s12 =	sadd.s32 $0xE730, s5;
	s13 =	sadd.s32 $0x60, s10  }
0xa1: {  	[hbm4b:s13+s3] =	stream.linear.scatter [tilespmem:s12], [sflag:$0x5], $0x80, $0x38;
	[tilespmem:$0x16C00] =	vst v63  }
0xa2: {  	s12 =	sadd.s32 $0xE7B8, s5;
	s13 =	sadd.s32 $0x70, s10;
	s5 =	simm.s32 @!p0 $0x8  }
0xa3: {  	[hbm4b:s13+s3] =	stream.linear.scatter [tilespmem:s12], [sflag:$0x5], $0x80, $0x38;
	[tilespmem:$0x16C00] =	vst v63  }
0xa4: {  	s0 =	sor.u32 $0x3, s0;
	_ =	swait.ge @!p0 [sflag:s5], $0x2000  }
0xa5: {  	s10 =	sshll.u32 s0, $0x7;
	[sflag:s5] =	ssyncset.done @!p0 $0x0  }
0xa6: {  	s11 =	sand.u32 $0x3FFFFF80, s10;
	[sflag:s5] =	ssyncadd.s32 @!p0 $0xFFFFE000  }
0xa7: {  	[tilespmem:s17], [sflag:$0x4] =	stream.indirect.gather [hbm4b:s4+s9], $0x40, s11, s9, $0xb8;
	[tilespmem:$0x16C00] =	vst v63  }
0xa8: {  	_ =	swait.ge [sflag:s18], $0x2000  }
0xa9: {  	[sflag:s18] =	ssyncset.done $0x0  }
0xaa: {  	s12 =	simm.s32 $0x3;
	s5 =	simm.s32 $0x84F0;
	[sflag:s18] =	ssyncadd.s32 $0xFFFFE000  }
0xab: {  	v4 =	vmov s12;
	v5 =	vld [tilespmem:s5+$0xFFFFFFD0]  }
0xac: {  	s13 =	simm.s32 $0x0;
	v9 =	vand.u32 $0x7F, v4  }
0xad: {  	v6 =	vmov s13;
	v4 =	vadd.s32 v0, v9  }
0xae: {  	s10 =	simm.s32 $0x1;
	v8 =	vand.u32 $0x7C, v6;
	v7 =	vld [tilespmem:s5+$0xFFFFFF10]  }
0xaf: {  	v6 =	vmov s10;
	v12 =	vadd.s32 v0, v8;
	s11 =	simm.s32 $0x2;
	v10 =	vld [tilespmem:s5+$0xFFFFFF50]  }
0xb0: {  	v15 =	vand.u32 $0x7D, v6;
	v11 =	vmov s11;
	v6 =	vld [tilespmem:s5+$0xFFFFFF90];
	v5 =	vmul.f32 $8.000000000e+00, v5  }
0xb1: {  	v13 =	vadd.s32 v0, v15;
	v17 =	vand.u32 $0x7E, v11  }
0xb2: {  	v11 =	vadd.s32 v0, v17;
	[tilespmem:v4+s19+$0x0] =	vst.idx.msk $0xffff, v5  }
0xb3: {  	v4 =	vmul.f32 $8.000000000e+00, v7;
	v5 =	vld [tilespmem:s5+$0xFFFFFFE0]  }
0xb4: {  	v7 =	vmul.f32 $8.000000000e+00, v10  }
0xb5: {  	[tilespmem:v12+s19+$0x0] =	vst.idx.msk $0xffff, v4;
	v4 =	vmul.f32 $8.000000000e+00, v6;
	v6 =	vadd.s32 v1, v9  }
0xb6: {  	[tilespmem:v13+s19+$0x0] =	vst.idx.msk $0xffff, v7;
	v10 =	vld [tilespmem:s5+$0xFFFFFF20]  }
0xb7: {  	v7 =	vld [tilespmem:s5+$0xFFFFFF60];
	[tilespmem:v11+s19+$0x0] =	vst.idx.msk $0xffff, v4  }
0xb8: {  	v11 =	vld [tilespmem:s5+$0xFFFFFFA0];
	v4 =	vmul.f32 $8.000000000e+00, v5  }
0xb9: {  	s12 =	simm.s32 $0x4;
	s13 =	simm.s32 $0x7;
	s10 =	simm.s32 $0x85F0;
	v12 =	vadd.s32 v1, v15  }
0xba: {  	v14 =	vld [tilespmem:s10+$0xFFFFFFD0];
	v13 =	vadd.s32 v1, v17;
	v5 =	vmov s12;
	[tilespmem:v6+s19+$0x0] =	vst.idx.msk $0xffff, v4;
	v6 =	vmov s13  }
0xbb: {  	v16 =	vadd.s32 v1, v8;
	v4 =	vand.u32 $0x7C, v5;
	v5 =	vand.u32 $0x7F, v6;
	v18 =	vld [tilespmem:s5+$0xFFFFFFF0]  }
0xbc: {  	v22 =	vadd.s32 v2, v9;
	v19 =	vld [tilespmem:s10+$0xFFFFFF10];
	s12 =	simm.s32 $0x5;
	v6 =	vmul.f32 $8.000000000e+00, v7;
	v20 =	vadd.s32 v0, v5  }
0xbd: {  	v21 =	vld [tilespmem:s10+$0xFFFFFF50];
	v10 =	vmul.f32 $8.000000000e+00, v10;
	s13 =	simm.s32 $0x6;
	v7 =	vmul.f32 $8.000000000e+00, v11;
	v11 =	vmov s12  }
0xbe: {  	v23 =	vadd.s32 v0, v4;
	[tilespmem:v12+s19+$0x0] =	vst.idx.msk $0xffff, v6;
	v12 =	vmov s13;
	v6 =	vand.u32 $0x7D, v11;
	v11 =	vld [tilespmem:s10+$0xFFFFFF90]  }
0xbf: {  	[tilespmem:v13+s19+$0x0] =	vst.idx.msk $0xffff, v7;
	v13 =	vadd.s32 v0, v6;
	v7 =	vand.u32 $0x7E, v12;
	v12 =	vmul.f32 $8.000000000e+00, v14;
	v14 =	vld [tilespmem:s5+$0xFFFFFF70]  }
0xc0: {  	[tilespmem:v16+s19+$0x0] =	vst.idx.msk $0xffff, v10;
	v10 =	vadd.s32 v0, v7;
	v16 =	vld [tilespmem:s5+$0xFFFFFFB0];
	v18 =	vmul.f32 $8.000000000e+00, v18  }
0xc1: {  	v19 =	vmul.f32 $8.000000000e+00, v19;
	[tilespmem:v20+s19+$0x0] =	vst.idx.msk $0xffff, v12;
	v12 =	vld [tilespmem:s5+$0xFFFFFF30];
	v20 =	vadd.s32 v2, v15  }
0xc2: {  	v25 =	vadd.s32 v2, v17;
	v21 =	vmul.f32 $8.000000000e+00, v21;
	v24 =	vld [tilespmem:s10+$0xFFFFFFE0];
	[tilespmem:v22+s19+$0x0] =	vst.idx.msk $0xffff, v18  }
0xc3: {  	[tilespmem:v23+s19+$0x0] =	vst.idx.msk $0xffff, v19;
	v19 =	vadd.s32 v2, v8;
	v11 =	vmul.f32 $8.000000000e+00, v11;
	v22 =	vld [tilespmem:s5+$0x0]  }
0xc4: {  	v23 =	vld [tilespmem:s10+$0xFFFFFF20];
	[tilespmem:v13+s19+$0x0] =	vst.idx.msk $0xffff, v21;
	v21 =	vadd.s32 v1, v5;
	v14 =	vmul.f32 $8.000000000e+00, v14  }
0xc5: {  	v27 =	vadd.s32 v3, v9;
	v26 =	vld [tilespmem:s10+$0xFFFFFF60];
	[tilespmem:v10+s19+$0x0] =	vst.idx.msk $0xffff, v11;
	v10 =	vmul.f32 $8.000000000e+00, v16  }
0xc6: {  	v18 =	vadd.s32 v1, v4;
	v13 =	vld [tilespmem:s10+$0xFFFFFFA0];
	v9 =	vmul.f32 $8.000000000e+00, v12;
	[tilespmem:v20+s19+$0x0] =	vst.idx.msk $0xffff, v14  }
0xc7: {  	s13 =	simm.s32 $0x8;
	v16 =	vadd.s32 v1, v6;
	[tilespmem:v25+s19+$0x0] =	vst.idx.msk $0xffff, v10;
	v14 =	vmul.f32 $8.000000000e+00, v24;
	v12 =	vld [tilespmem:s5+$0xFFFFFF80]  }
0xc8: {  	v20 =	vmov s13;
	v10 =	vadd.s32 v1, v7;
	v11 =	vld [tilespmem:s5+$0xFFFFFFC0];
	[tilespmem:v19+s19+$0x0] =	vst.idx.msk $0xffff, v9;
	v63 =	vmul.f32 $8.000000000e+00, v22  }
0xc9: {  	s11 =	simm.s32 $0xB;
	s12 =	simm.s32 $0x86F0;
	v15 =	vadd.s32 v3, v15;
	v9 =	vand.u32 $0x7C, v20;
	v20 =	vmul.f32 $8.000000000e+00, v23;
	[tilespmem:v21+s19+$0x0] =	vst.idx.msk $0xffff, v14;
	v14 =	vld [tilespmem:s5+$0xFFFFFF40]  }
0xca: {  	v17 =	vadd.s32 v3, v17;
	v22 =	vmov s11;
	v19 =	vld [tilespmem:s12+$0xFFFFFFD0];
	s5 =	simm.s32 $0xC;
	v21 =	vmul.f32 $8.000000000e+00, v26;
	[tilespmem:v27+s19+$0x0] =	vst.idx.msk $0xffff, v63  }
.LBB2_7:
0xcb: {  	p0 =	slt.u32 s5, $0x7C;
	s8 =	sadd.s32 $0x1, s13;
	v22 =	vand.u32 $0x7F, v22;
	[tilespmem:v18+s19+$0x0] =	vst.idx.msk $0xffff, v20;
	v13 =	vmul.f32 $8.000000000e+00, v13;
	v18 =	vld [tilespmem:s10+$0xFFFFFFF0];
	v20 =	vadd.s32 v3, v8;
	v8 =	vmovc v4  }
0xcc: {  	v4 =	vmovc v9;
	v23 =	vld [tilespmem:s12+$0xFFFFFF10];
	v24 =	vmov s8;
	s8 =	sadd.s32 $0x2, s13;
	v25 =	vadd.s32 v0, v22;
	[tilespmem:v16+s19+$0x0] =	vst.idx.msk $0xffff, v21;
	v12 =	vmul.f32 $8.000000000e+00, v12;
	s13 =	smov.u32 s5  }
0xcd: {  	v9 =	vld [tilespmem:s12+$0xFFFFFF50];
	v16 =	vmov s8;
	[tilespmem:v10+s19+$0x0] =	vst.idx.msk $0xffff, v13;
	v10 =	vadd.s32 v2, v5;
	v11 =	vmul.f32 $8.000000000e+00, v11  }
0xce: {  	v13 =	vadd.s32 v0, v4;
	v21 =	vand.u32 $0x7D, v24;
	v24 =	vld [tilespmem:s12+$0xFFFFFF90];
	v14 =	vmul.f32 $8.000000000e+00, v14;
	[tilespmem:v15+s19+$0x0] =	vst.idx.msk $0xffff, v12  }
0xcf: {  	v12 =	vadd.s32 v0, v21;
	v26 =	vand.u32 $0x7E, v16;
	v15 =	vmul.f32 $8.000000000e+00, v19;
	v16 =	vld [tilespmem:s10+$0xFFFFFF70];
	[tilespmem:v17+s19+$0x0] =	vst.idx.msk $0xffff, v11  }
0xd0: {  	v11 =	vadd.s32 v0, v26;
	v17 =	vld [tilespmem:s10+$0xFFFFFFB0];
	v18 =	vmul.f32 $8.000000000e+00, v18;
	[tilespmem:v20+s19+$0x0] =	vst.idx.msk $0xffff, v14  }
0xd1: {  	v19 =	vadd.s32 v2, v6;
	v14 =	vmul.f32 $8.000000000e+00, v23;
	[tilespmem:v25+s19+$0x0] =	vst.idx.msk $0xffff, v15;
	v15 =	vld [tilespmem:s10+$0xFFFFFF30]  }
0xd2: {  	v23 =	vadd.s32 v2, v7;
	v9 =	vmul.f32 $8.000000000e+00, v9;
	v20 =	vld [tilespmem:s12+$0xFFFFFFE0];
	[tilespmem:v10+s19+$0x0] =	vst.idx.msk $0xffff, v18  }
0xd3: {  	[tilespmem:v13+s19+$0x0] =	vst.idx.msk $0xffff, v14;
	v10 =	vmul.f32 $8.000000000e+00, v24;
	v14 =	vadd.s32 v2, v8;
	v24 =	vld [tilespmem:s10+$0x0]  }
0xd4: {  	v27 =	vadd.s32 v1, v22;
	v25 =	vld [tilespmem:s12+$0xFFFFFF20];
	[tilespmem:v12+s19+$0x0] =	vst.idx.msk $0xffff, v9;
	v9 =	vmul.f32 $8.000000000e+00, v16  }
0xd5: {  	v29 =	vadd.s32 v3, v5;
	v5 =	vmov v22;
	v28 =	vld [tilespmem:s12+$0xFFFFFF60];
	[tilespmem:v11+s19+$0x0] =	vst.idx.msk $0xffff, v10;
	v10 =	vmul.f32 $8.000000000e+00, v17  }
.Ltmp2:
0xd6: {  	v18 =	vadd.s32 v1, v4;
	v13 =	vld [tilespmem:s12+$0xFFFFFFA0];
	v11 =	vmul.f32 $8.000000000e+00, v15;
	[tilespmem:v19+s19+$0x0] =	vst.idx.msk $0xffff, v9;
	(pc) =	sbr.rel @p0 .LBB2_7-.Ltmp2, $4  }
0xd7: {  	v16 =	vadd.s32 v1, v21;
	v15 =	vmul.f32 $8.000000000e+00, v20;
	v12 =	vld [tilespmem:s10+$0xFFFFFF80];
	[tilespmem:v23+s19+$0x0] =	vst.idx.msk $0xffff, v10  }
0xd8: {  	v9 =	vmov s5;
	v10 =	vadd.s32 v1, v26;
	[tilespmem:v14+s19+$0x0] =	vst.idx.msk $0xffff, v11;
	v11 =	vld [tilespmem:s10+$0xFFFFFFC0];
	v23 =	vmul.f32 $8.000000000e+00, v24  }
0xd9: {  	s8 =	sadd.s32 $0x3, s5;
	v9 =	vand.u32 $0x7C, v9;
	v20 =	vmul.f32 $8.000000000e+00, v25;
	[tilespmem:v27+s19+$0x0] =	vst.idx.msk $0xffff, v15;
	v14 =	vld [tilespmem:s10+$0xFFFFFF40];
	v15 =	vadd.s32 v3, v6;
	v6 =	vmovc v21;
	s10 =	smov.u32 s12;
	s12 =	sadd.s32 $0x100, s12  }
0xda: {  	v22 =	vmov s8;
	v17 =	vadd.s32 v3, v7;
	v7 =	vmovc v26;
	s5 =	sadd.s32 $0x4, s5;
	v19 =	vld [tilespmem:s12+$0xFFFFFFD0];
	v21 =	vmul.f32 $8.000000000e+00, v28;
	[tilespmem:v29+s19+$0x0] =	vst.idx.msk $0xffff, v23  }
0xdb: {  	s5 =	sadd.s32 $0x1, s13;
	v22 =	vand.u32 $0x7F, v22;
	v28 =	vld [tilespmem:s12+$0xFFFFFF10]  }
0xdc: {  	s8 =	sadd.s32 $0x2, s13;
	v24 =	vld [tilespmem:s12+$0xFFFFFF50];
	v23 =	vmov s5;
	v25 =	vadd.s32 v0, v22  }
0xdd: {  	v27 =	vld [tilespmem:s12+$0xFFFFFF90];
	v51 =	vadd.s32 v0, v9;
	v26 =	vmov s8;
	v23 =	vand.u32 $0x7D, v23  }
0xde: {  	v26 =	vand.u32 $0x7E, v26;
	v29 =	vadd.s32 v0, v23  }
0xdf: {  	[tilespmem:v18+s19+$0x0] =	vst.idx.msk $0xffff, v20;
	v30 =	vadd.s32 v0, v26;
	v19 =	vmul.f32 $8.000000000e+00, v19  }
0xe0: {  	[tilespmem:v16+s19+$0x0] =	vst.idx.msk $0xffff, v21;
	v54 =	vmul.f32 $8.000000000e+00, v28  }
0xe1: {  	v52 =	vmul.f32 $8.000000000e+00, v24;
	[tilespmem:v25+s19+$0x0] =	vst.idx.msk $0xffff, v19  }
0xe2: {  	v53 =	vmul.f32 $8.000000000e+00, v27;
	v55 =	vld [tilespmem:s12+$0xFFFFFFE0];
	[tilespmem:v51+s19+$0x0] =	vst.idx.msk $0xffff, v54  }
0xe3: {  	v13 =	vmul.f32 $8.000000000e+00, v13;
	v8 =	vadd.s32 v3, v8;
	[tilespmem:v29+s19+$0x0] =	vst.idx.msk $0xffff, v52;
	v59 =	vld [tilespmem:s12+$0xFFFFFF20]  }
0xe4: {  	v12 =	vmul.f32 $8.000000000e+00, v12;
	v57 =	vadd.s32 v1, v22;
	[tilespmem:v30+s19+$0x0] =	vst.idx.msk $0xffff, v53;
	v56 =	vld [tilespmem:s12+$0xFFFFFF60]  }
0xe5: {  	[tilespmem:v10+s19+$0x0] =	vst.idx.msk $0xffff, v13;
	v58 =	vmul.f32 $8.000000000e+00, v11;
	v28 =	vadd.s32 v1, v9;
	v19 =	vld [tilespmem:s12+$0xFFFFFFA0]  }
0xe6: {  	v61 =	vld [tilespmem:s10+$0xFFFFFFF0];
	v60 =	vadd.s32 v1, v23;
	v14 =	vmul.f32 $8.000000000e+00, v14;
	[tilespmem:v15+s19+$0x0] =	vst.idx.msk $0xffff, v12  }
0xe7: {  	v32 =	vld [tilespmem:s10+$0xFFFFFF30];
	v62 =	vadd.s32 v1, v26;
	[tilespmem:v17+s19+$0x0] =	vst.idx.msk $0xffff, v58;
	v16 =	vmul.f32 $8.000000000e+00, v55  }
0xe8: {  	[tilespmem:v8+s19+$0x0] =	vst.idx.msk $0xffff, v14;
	v29 =	vadd.s32 v2, v5;
	v30 =	vld [tilespmem:s10+$0xFFFFFFB0];
	v11 =	vmul.f32 $8.000000000e+00, v59  }
0xe9: {  	v38 =	vadd.s32 v2, v4;
	v63 =	vld [tilespmem:s10+$0xFFFFFF70];
	v31 =	vmul.f32 $8.000000000e+00, v56;
	[tilespmem:v57+s19+$0x0] =	vst.idx.msk $0xffff, v16  }
0xea: {  	v35 =	vadd.s32 v2, v7;
	v34 =	vmul.f32 $8.000000000e+00, v19;
	v36 =	vld [tilespmem:s12+$0xFFFFFFF0];
	[tilespmem:v28+s19+$0x0] =	vst.idx.msk $0xffff, v11  }
0xeb: {  	v33 =	vadd.s32 v2, v6;
	v37 =	vmul.f32 $8.000000000e+00, v61;
	[tilespmem:v60+s19+$0x0] =	vst.idx.msk $0xffff, v31;
	v43 =	vld [tilespmem:s12+$0xFFFFFF30]  }
0xec: {  	v40 =	vadd.s32 v2, v22;
	v14 =	vmul.f32 $8.000000000e+00, v32;
	[tilespmem:v62+s19+$0x0] =	vst.idx.msk $0xffff, v34;
	v39 =	vld [tilespmem:s12+$0xFFFFFF70]  }
0xed: {  	v48 =	vadd.s32 v2, v9;
	[tilespmem:v29+s19+$0x0] =	vst.idx.msk $0xffff, v37;
	v42 =	vmul.f32 $8.000000000e+00, v30;
	v41 =	vld [tilespmem:s12+$0xFFFFFFB0]  }
0xee: {  	v44 =	vadd.s32 v2, v23;
	v15 =	vmul.f32 $8.000000000e+00, v63;
	[tilespmem:v38+s19+$0x0] =	vst.idx.msk $0xffff, v14;
	v45 =	vld [tilespmem:s10+$0x0]  }
0xef: {  	v46 =	vadd.s32 v2, v26;
	v14 =	vld [tilespmem:s10+$0xFFFFFF40];
	[tilespmem:v35+s19+$0x0] =	vst.idx.msk $0xffff, v42;
	v47 =	vmul.f32 $8.000000000e+00, v36  }
0xf0: {  	v5 =	vadd.s32 v3, v5;
	[tilespmem:v33+s19+$0x0] =	vst.idx.msk $0xffff, v15;
	v49 =	vld [tilespmem:s10+$0xFFFFFFC0];
	v53 =	vmul.f32 $8.000000000e+00, v43  }
0xf1: {  	v4 =	vadd.s32 v3, v4;
	v21 =	vld [tilespmem:s10+$0xFFFFFF80];
	v12 =	vmul.f32 $8.000000000e+00, v39;
	[tilespmem:v40+s19+$0x0] =	vst.idx.msk $0xffff, v47  }
0xf2: {  	v52 =	vadd.s32 v3, v7;
	v51 =	vmul.f32 $8.000000000e+00, v41;
	v10 =	vld [tilespmem:s12+$0x0];
	[tilespmem:v48+s19+$0x0] =	vst.idx.msk $0xffff, v53  }
0xf3: {  	v50 =	vadd.s32 v3, v6;
	v54 =	vmul.f32 $8.000000000e+00, v45;
	[tilespmem:v44+s19+$0x0] =	vst.idx.msk $0xffff, v12;
	v59 =	vld [tilespmem:s12+$0xFFFFFF40]  }
0xf4: {  	v57 =	vadd.s32 v3, v22;
	v14 =	vmul.f32 $8.000000000e+00, v14;
	[tilespmem:v46+s19+$0x0] =	vst.idx.msk $0xffff, v51;
	v55 =	vld [tilespmem:s12+$0xFFFFFF80]  }
0xf5: {  	v62 =	vadd.s32 v3, v9;
	[tilespmem:v5+s19+$0x0] =	vst.idx.msk $0xffff, v54;
	v5 =	vmul.f32 $8.000000000e+00, v49;
	v58 =	vld [tilespmem:s12+$0xFFFFFFC0]  }
0xf6: {  	v56 =	vmul.f32 $8.000000000e+00, v21;
	v60 =	vadd.s32 v3, v23;
	[tilespmem:v4+s19+$0x0] =	vst.idx.msk $0xffff, v14  }
0xf7: {  	v61 =	vadd.s32 v3, v26;
	[tilespmem:v52+s19+$0x0] =	vst.idx.msk $0xffff, v5;
	v5 =	vmul.f32 $8.000000000e+00, v10  }
0xf8: {  	[tilespmem:v50+s19+$0x0] =	vst.idx.msk $0xffff, v56;
	v63 =	vmul.f32 $8.000000000e+00, v59  }
0xf9: {  	v4 =	vmul.f32 $8.000000000e+00, v55;
	[tilespmem:v57+s19+$0x0] =	vst.idx.msk $0xffff, v5  }
0xfa: {  	v5 =	vmul.f32 $8.000000000e+00, v58;
	[tilespmem:v62+s19+$0x0] =	vst.idx.msk $0xffff, v63  }
0xfb: {  	[tilespmem:v60+s19+$0x0] =	vst.idx.msk $0xffff, v4  }
0xfc: {  	s5 =	sadd.s32 s1, s7;
	s10 =	simm.s32 $0x10600;
	[tilespmem:v61+s19+$0x0] =	vst.idx.msk $0xffff, v5  }
0xfd: {  	[hbm4b:s5+s3] =	stream.linear.scatter [tilespmem:s10], [sflag:$0x6], $0x80, $0x38;
	[tilespmem:$0x16C00] =	vst v63  }
0xfe: {  	s11 =	simm.s32 $0x10688;
	s8 =	sadd.s32 $0x10, s5  }
0xff: {  	[hbm4b:s8+s3] =	stream.linear.scatter [tilespmem:s11], [sflag:$0x6], $0x80, $0x38;
	[tilespmem:$0x16C00] =	vst v63  }
0x100: {  	s13 =	sadd.s32 $0x20, s5;
	s12 =	simm.s32 $0x10710  }
0x101: {  	[hbm4b:s13+s3] =	stream.linear.scatter [tilespmem:s12], [sflag:$0x6], $0x80, $0x38;
	[tilespmem:$0x16C00] =	vst v63  }
0x102: {  	s10 =	simm.s32 $0x10798;
	s11 =	sadd.s32 $0x30, s5  }
0x103: {  	[hbm4b:s11+s3] =	stream.linear.scatter [tilespmem:s10], [sflag:$0x6], $0x80, $0x38;
	[tilespmem:$0x16C00] =	vst v63  }
0x104: {  	s12 =	simm.s32 $0x10820;
	s13 =	sadd.s32 $0x40, s5  }
0x105: {  	[hbm4b:s13+s3] =	stream.linear.scatter [tilespmem:s12], [sflag:$0x6], $0x80, $0x38;
	[tilespmem:$0x16C00] =	vst v63  }
0x106: {  	s1 =	simm.s32 $0x440;
	s10 =	simm.s32 $0x108A8;
	s11 =	sadd.s32 $0x50, s5  }
0x107: {  	[hbm4b:s11+s3] =	stream.linear.scatter [tilespmem:s10], [sflag:$0x6], $0x80, $0x38;
	[tilespmem:$0x16C00] =	vst v63  }
0x108: {  	s8 =	sadd.s32 $0x70, s5;
	s12 =	simm.s32 $0x10930;
	s13 =	sadd.s32 $0x60, s5  }
0x109: {  	[hbm4b:s13+s3] =	stream.linear.scatter [tilespmem:s12], [sflag:$0x6], $0x80, $0x38;
	[tilespmem:$0x16C00] =	vst v63  }
0x10a: {  	s5 =	sadd.s32 $0x1000, s5;
	s10 =	simm.s32 $0x2200;
	s12 =	simm.s32 $0x109B8  }
.LBB2_9:
0x10b: {  	[hbm4b:s8+s3] =	stream.linear.scatter [tilespmem:s12], [sflag:$0x6], $0x80, $0x38;
	[tilespmem:$0x16C00] =	vst v63  }
0x10c: {  	s8 =	smov.u32 s1;
	s1 =	smov.u32 s10  }
0x10d: {  	s11 =	sadd.s32 $0x1100, s10;
	s1 =	sshra.s32 s1, $0x2;
	s12 =	sadd.s32 $0x10600, s8  }
0x10e: {  	[hbm4b:s5+s3] =	stream.linear.scatter [tilespmem:s12], [sflag:$0x6], $0x80, $0x38;
	[tilespmem:$0x16C00] =	vst v63  }
0x10f: {  	p0 =	sne.s32 s10, $0x7700;
	s10 =	sadd.s32 $0x10688, s8;
	s12 =	sadd.s32 $0x10, s5  }
0x110: {  	[hbm4b:s12+s3] =	stream.linear.scatter [tilespmem:s10], [sflag:$0x6], $0x80, $0x38;
	[tilespmem:$0x16C00] =	vst v63  }
0x111: {  	s10 =	sadd.s32 $0x10710, s8;
	s12 =	sadd.s32 $0x20, s5  }
0x112: {  	[hbm4b:s12+s3] =	stream.linear.scatter [tilespmem:s10], [sflag:$0x6], $0x80, $0x38;
	[tilespmem:$0x16C00] =	vst v63  }
0x113: {  	s10 =	sadd.s32 $0x10798, s8;
	s12 =	sadd.s32 $0x30, s5  }
0x114: {  	[hbm4b:s12+s3] =	stream.linear.scatter [tilespmem:s10], [sflag:$0x6], $0x80, $0x38;
	[tilespmem:$0x16C00] =	vst v63  }
0x115: {  	s10 =	sadd.s32 $0x10820, s8;
	s12 =	sadd.s32 $0x40, s5  }
0x116: {  	[hbm4b:s12+s3] =	stream.linear.scatter [tilespmem:s10], [sflag:$0x6], $0x80, $0x38;
	[tilespmem:$0x16C00] =	vst v63  }
0x117: {  	s10 =	sadd.s32 $0x108A8, s8;
	s12 =	sadd.s32 $0x50, s5  }
0x118: {  	[hbm4b:s12+s3] =	stream.linear.scatter [tilespmem:s10], [sflag:$0x6], $0x80, $0x38;
	[tilespmem:$0x16C00] =	vst v63  }
.Ltmp3:
0x119: {  	_ = 	snop;
	(pc) =	sbr.rel @p0 .LBB2_9-.Ltmp3, $4  }
0x11a: {  	s10 =	sadd.s32 $0x10930, s8;
	s12 =	sadd.s32 $0x60, s5  }
0x11b: {  	[hbm4b:s12+s3] =	stream.linear.scatter [tilespmem:s10], [sflag:$0x6], $0x80, $0x38;
	[tilespmem:$0x16C00] =	vst v63  }
0x11c: {  	s12 =	sadd.s32 $0x109B8, s8  }
0x11d: {  	s8 =	sadd.s32 $0x70, s5;
	s5 =	sadd.s32 $0x1000, s5;
	s10 =	smov.u32 s11  }
0x11e: {  	[hbm4b:s8+s3] =	stream.linear.scatter [tilespmem:s12], [sflag:$0x6], $0x80, $0x38;
	[tilespmem:$0x16C00] =	vst v63  }
0x11f: {  	s10 =	sadd.s32 $0x10600, s1  }
0x120: {  	[hbm4b:s5+s3] =	stream.linear.scatter [tilespmem:s10], [sflag:$0x6], $0x80, $0x38;
	[tilespmem:$0x16C00] =	vst v63  }
0x121: {  	s11 =	sadd.s32 $0x10688, s1;
	s10 =	sadd.s32 $0x10, s5  }
0x122: {  	[hbm4b:s10+s3] =	stream.linear.scatter [tilespmem:s11], [sflag:$0x6], $0x80, $0x38;
	[tilespmem:$0x16C00] =	vst v63  }
0x123: {  	s12 =	sadd.s32 $0x10710, s1;
	s13 =	sadd.s32 $0x20, s5  }
0x124: {  	[hbm4b:s13+s3] =	stream.linear.scatter [tilespmem:s12], [sflag:$0x6], $0x80, $0x38;
	[tilespmem:$0x16C00] =	vst v63  }
0x125: {  	s10 =	sadd.s32 $0x10798, s1;
	s11 =	sadd.s32 $0x30, s5  }
0x126: {  	[hbm4b:s11+s3] =	stream.linear.scatter [tilespmem:s10], [sflag:$0x6], $0x80, $0x38;
	[tilespmem:$0x16C00] =	vst v63  }
0x127: {  	s12 =	sadd.s32 $0x10820, s1;
	s13 =	sadd.s32 $0x40, s5  }
0x128: {  	[hbm4b:s13+s3] =	stream.linear.scatter [tilespmem:s12], [sflag:$0x6], $0x80, $0x38;
	[tilespmem:$0x16C00] =	vst v63  }
0x129: {  	s10 =	sadd.s32 $0x108A8, s1;
	s11 =	sadd.s32 $0x50, s5  }
0x12a: {  	[hbm4b:s11+s3] =	stream.linear.scatter [tilespmem:s10], [sflag:$0x6], $0x80, $0x38;
	[tilespmem:$0x16C00] =	vst v63  }
0x12b: {  	s12 =	sadd.s32 $0x10930, s1;
	s13 =	sadd.s32 $0x60, s5  }
0x12c: {  	[hbm4b:s13+s3] =	stream.linear.scatter [tilespmem:s12], [sflag:$0x6], $0x80, $0x38;
	[tilespmem:$0x16C00] =	vst v63  }
0x12d: {  	p0 =	seq.s32 s30, $0x31;
	s11 =	sadd.s32 $0x109B8, s1;
	s12 =	sadd.s32 $0x70, s5  }
0x12e: {  	[hbm4b:s12+s3] =	stream.linear.scatter [tilespmem:s11], [sflag:$0x6], $0x80, $0x38;
	[tilespmem:$0x16C00] =	vst v63  }
0x12f: {  	s1 =	sshll.u32 @!p0 s30, $0x9;
	_ =	swait.ge [sflag:s20], $0x2000  }
0x130: {  	s8 =	simm.s32 @!p0 $0x80;
	s1 =	sand.u32 @!p0 $0x3FFFFE00, s1;
	[sflag:s20] =	ssyncset.done $0x0  }
0x131: {  	s10 =	simm.s32 @!p0 $0x6400;
	s5 =	sadd.s32 @!p0 $0x200, s1;
	[sflag:s20] =	ssyncadd.s32 $0xFFFFE000  }
0x132: {  	[tilespmem:s10], [sflag:$0x1] =	stream.indirect.gather @!p0 [hbm4b:s4+s8], $0x40, s5, s8, $0xb8;
	[tilespmem:$0x16C00] =	vst v63  }
0x133: {  	_ =	swait.ge [sflag:s21], $0x2000  }
0x134: {  	[sflag:s21] =	ssyncset.done $0x0  }
0x135: {  	s13 =	simm.s32 $0x3;
	s5 =	simm.s32 $0xA4F0;
	[sflag:s21] =	ssyncadd.s32 $0xFFFFE000  }
0x136: {  	v4 =	vmov s13;
	v5 =	vld [tilespmem:s5+$0xFFFFFFD0]  }
0x137: {  	v9 =	vand.u32 $0x7F, v4  }
0x138: {  	v4 =	vadd.s32 v0, v9;
	s10 =	simm.s32 $0x0  }
0x139: {  	s11 =	simm.s32 $0x1;
	s12 =	simm.s32 $0x2;
	v6 =	vmov s10;
	v7 =	vld [tilespmem:s5+$0xFFFFFF10]  }
0x13a: {  	v11 =	vmov s12;
	v8 =	vand.u32 $0x7C, v6;
	v6 =	vmov s11;
	v10 =	vld [tilespmem:s5+$0xFFFFFF50]  }
0x13b: {  	v12 =	vadd.s32 v0, v8;
	v15 =	vand.u32 $0x7D, v6;
	v6 =	vld [tilespmem:s5+$0xFFFFFF90];
	v5 =	vmul.f32 $8.000000000e+00, v5  }
0x13c: {  	v17 =	vand.u32 $0x7E, v11;
	v13 =	vadd.s32 v0, v15  }
0x13d: {  	v11 =	vadd.s32 v0, v17;
	[tilespmem:v4+s22+$0x0] =	vst.idx.msk $0xffff, v5  }
0x13e: {  	v4 =	vmul.f32 $8.000000000e+00, v7;
	v5 =	vld [tilespmem:s5+$0xFFFFFFE0]  }
0x13f: {  	v7 =	vmul.f32 $8.000000000e+00, v10  }
0x140: {  	[tilespmem:v12+s22+$0x0] =	vst.idx.msk $0xffff, v4;
	v4 =	vmul.f32 $8.000000000e+00, v6;
	v6 =	vadd.s32 v1, v9  }
0x141: {  	[tilespmem:v13+s22+$0x0] =	vst.idx.msk $0xffff, v7;
	v10 =	vld [tilespmem:s5+$0xFFFFFF20]  }
0x142: {  	v7 =	vld [tilespmem:s5+$0xFFFFFF60];
	[tilespmem:v11+s22+$0x0] =	vst.idx.msk $0xffff, v4  }
0x143: {  	v11 =	vld [tilespmem:s5+$0xFFFFFFA0];
	v4 =	vmul.f32 $8.000000000e+00, v5  }
0x144: {  	s13 =	simm.s32 $0x4;
	s10 =	simm.s32 $0xA5F0;
	s11 =	simm.s32 $0x7;
	v12 =	vadd.s32 v1, v15  }
0x145: {  	v14 =	vld [tilespmem:s10+$0xFFFFFFD0];
	v13 =	vadd.s32 v1, v17;
	v5 =	vmov s13;
	[tilespmem:v6+s22+$0x0] =	vst.idx.msk $0xffff, v4;
	v6 =	vmov s11  }
0x146: {  	v16 =	vadd.s32 v1, v8;
	v4 =	vand.u32 $0x7C, v5;
	v5 =	vand.u32 $0x7F, v6;
	v18 =	vld [tilespmem:s5+$0xFFFFFFF0]  }
0x147: {  	s12 =	simm.s32 $0x5;
	v22 =	vadd.s32 v2, v9;
	v19 =	vld [tilespmem:s10+$0xFFFFFF10];
	v6 =	vmul.f32 $8.000000000e+00, v7;
	v20 =	vadd.s32 v0, v5  }
0x148: {  	v21 =	vld [tilespmem:s10+$0xFFFFFF50];
	s13 =	simm.s32 $0x6;
	v10 =	vmul.f32 $8.000000000e+00, v10;
	v7 =	vmul.f32 $8.000000000e+00, v11;
	v11 =	vmov s12  }
0x149: {  	v23 =	vadd.s32 v0, v4;
	[tilespmem:v12+s22+$0x0] =	vst.idx.msk $0xffff, v6;
	v12 =	vmov s13;
	v6 =	vand.u32 $0x7D, v11;
	v11 =	vld [tilespmem:s10+$0xFFFFFF90]  }
0x14a: {  	[tilespmem:v13+s22+$0x0] =	vst.idx.msk $0xffff, v7;
	v13 =	vadd.s32 v0, v6;
	v7 =	vand.u32 $0x7E, v12;
	v12 =	vmul.f32 $8.000000000e+00, v14;
	v14 =	vld [tilespmem:s5+$0xFFFFFF70]  }
0x14b: {  	[tilespmem:v16+s22+$0x0] =	vst.idx.msk $0xffff, v10;
	v10 =	vadd.s32 v0, v7;
	v16 =	vld [tilespmem:s5+$0xFFFFFFB0];
	v18 =	vmul.f32 $8.000000000e+00, v18  }
0x14c: {  	v19 =	vmul.f32 $8.000000000e+00, v19;
	[tilespmem:v20+s22+$0x0] =	vst.idx.msk $0xffff, v12;
	v12 =	vld [tilespmem:s5+$0xFFFFFF30];
	v20 =	vadd.s32 v2, v15  }
0x14d: {  	v25 =	vadd.s32 v2, v17;
	v21 =	vmul.f32 $8.000000000e+00, v21;
	v24 =	vld [tilespmem:s10+$0xFFFFFFE0];
	[tilespmem:v22+s22+$0x0] =	vst.idx.msk $0xffff, v18  }
0x14e: {  	[tilespmem:v23+s22+$0x0] =	vst.idx.msk $0xffff, v19;
	v19 =	vadd.s32 v2, v8;
	v11 =	vmul.f32 $8.000000000e+00, v11;
	v22 =	vld [tilespmem:s5+$0x0]  }
0x14f: {  	v23 =	vld [tilespmem:s10+$0xFFFFFF20];
	[tilespmem:v13+s22+$0x0] =	vst.idx.msk $0xffff, v21;
	v21 =	vadd.s32 v1, v5;
	v14 =	vmul.f32 $8.000000000e+00, v14  }
0x150: {  	v27 =	vadd.s32 v3, v9;
	v26 =	vld [tilespmem:s10+$0xFFFFFF60];
	[tilespmem:v10+s22+$0x0] =	vst.idx.msk $0xffff, v11;
	v10 =	vmul.f32 $8.000000000e+00, v16  }
0x151: {  	v18 =	vadd.s32 v1, v4;
	v13 =	vld [tilespmem:s10+$0xFFFFFFA0];
	v9 =	vmul.f32 $8.000000000e+00, v12;
	[tilespmem:v20+s22+$0x0] =	vst.idx.msk $0xffff, v14  }
0x152: {  	s13 =	simm.s32 $0x8;
	v16 =	vadd.s32 v1, v6;
	[tilespmem:v25+s22+$0x0] =	vst.idx.msk $0xffff, v10;
	v14 =	vmul.f32 $8.000000000e+00, v24;
	v12 =	vld [tilespmem:s5+$0xFFFFFF80]  }
0x153: {  	v20 =	vmov s13;
	v10 =	vadd.s32 v1, v7;
	v11 =	vld [tilespmem:s5+$0xFFFFFFC0];
	[tilespmem:v19+s22+$0x0] =	vst.idx.msk $0xffff, v9;
	v63 =	vmul.f32 $8.000000000e+00, v22  }
0x154: {  	s11 =	simm.s32 $0xB;
	s12 =	simm.s32 $0xA6F0;
	v15 =	vadd.s32 v3, v15;
	v9 =	vand.u32 $0x7C, v20;
	v20 =	vmul.f32 $8.000000000e+00, v23;
	[tilespmem:v21+s22+$0x0] =	vst.idx.msk $0xffff, v14;
	v14 =	vld [tilespmem:s5+$0xFFFFFF40]  }
0x155: {  	v17 =	vadd.s32 v3, v17;
	v22 =	vmov s11;
	v19 =	vld [tilespmem:s12+$0xFFFFFFD0];
	s5 =	simm.s32 $0xC;
	v21 =	vmul.f32 $8.000000000e+00, v26;
	[tilespmem:v27+s22+$0x0] =	vst.idx.msk $0xffff, v63  }
.LBB2_11:
0x156: {  	p1 =	slt.u32 s5, $0x7C;
	s8 =	sadd.s32 $0x1, s13;
	v22 =	vand.u32 $0x7F, v22;
	[tilespmem:v18+s22+$0x0] =	vst.idx.msk $0xffff, v20;
	v13 =	vmul.f32 $8.000000000e+00, v13;
	v18 =	vld [tilespmem:s10+$0xFFFFFFF0];
	v20 =	vadd.s32 v3, v8;
	v8 =	vmovc v4  }
0x157: {  	v4 =	vmovc v9;
	v23 =	vld [tilespmem:s12+$0xFFFFFF10];
	v24 =	vmov s8;
	s8 =	sadd.s32 $0x2, s13;
	v25 =	vadd.s32 v0, v22;
	[tilespmem:v16+s22+$0x0] =	vst.idx.msk $0xffff, v21;
	v12 =	vmul.f32 $8.000000000e+00, v12;
	s13 =	smov.u32 s5  }
0x158: {  	v9 =	vld [tilespmem:s12+$0xFFFFFF50];
	v16 =	vmov s8;
	[tilespmem:v10+s22+$0x0] =	vst.idx.msk $0xffff, v13;
	v10 =	vadd.s32 v2, v5;
	v11 =	vmul.f32 $8.000000000e+00, v11  }
0x159: {  	v13 =	vadd.s32 v0, v4;
	v21 =	vand.u32 $0x7D, v24;
	v24 =	vld [tilespmem:s12+$0xFFFFFF90];
	v14 =	vmul.f32 $8.000000000e+00, v14;
	[tilespmem:v15+s22+$0x0] =	vst.idx.msk $0xffff, v12  }
0x15a: {  	v12 =	vadd.s32 v0, v21;
	v26 =	vand.u32 $0x7E, v16;
	v15 =	vmul.f32 $8.000000000e+00, v19;
	v16 =	vld [tilespmem:s10+$0xFFFFFF70];
	[tilespmem:v17+s22+$0x0] =	vst.idx.msk $0xffff, v11  }
0x15b: {  	v11 =	vadd.s32 v0, v26;
	v17 =	vld [tilespmem:s10+$0xFFFFFFB0];
	v18 =	vmul.f32 $8.000000000e+00, v18;
	[tilespmem:v20+s22+$0x0] =	vst.idx.msk $0xffff, v14  }
0x15c: {  	v19 =	vadd.s32 v2, v6;
	v14 =	vmul.f32 $8.000000000e+00, v23;
	[tilespmem:v25+s22+$0x0] =	vst.idx.msk $0xffff, v15;
	v15 =	vld [tilespmem:s10+$0xFFFFFF30]  }
0x15d: {  	v23 =	vadd.s32 v2, v7;
	v9 =	vmul.f32 $8.000000000e+00, v9;
	v20 =	vld [tilespmem:s12+$0xFFFFFFE0];
	[tilespmem:v10+s22+$0x0] =	vst.idx.msk $0xffff, v18  }
0x15e: {  	[tilespmem:v13+s22+$0x0] =	vst.idx.msk $0xffff, v14;
	v10 =	vmul.f32 $8.000000000e+00, v24;
	v14 =	vadd.s32 v2, v8;
	v24 =	vld [tilespmem:s10+$0x0]  }
0x15f: {  	v27 =	vadd.s32 v1, v22;
	v25 =	vld [tilespmem:s12+$0xFFFFFF20];
	[tilespmem:v12+s22+$0x0] =	vst.idx.msk $0xffff, v9;
	v9 =	vmul.f32 $8.000000000e+00, v16  }
0x160: {  	v29 =	vadd.s32 v3, v5;
	v5 =	vmov v22;
	v28 =	vld [tilespmem:s12+$0xFFFFFF60];
	[tilespmem:v11+s22+$0x0] =	vst.idx.msk $0xffff, v10;
	v10 =	vmul.f32 $8.000000000e+00, v17  }
.Ltmp4:
0x161: {  	v18 =	vadd.s32 v1, v4;
	v13 =	vld [tilespmem:s12+$0xFFFFFFA0];
	v11 =	vmul.f32 $8.000000000e+00, v15;
	[tilespmem:v19+s22+$0x0] =	vst.idx.msk $0xffff, v9;
	(pc) =	sbr.rel @p1 .LBB2_11-.Ltmp4, $4  }
0x162: {  	v16 =	vadd.s32 v1, v21;
	v15 =	vmul.f32 $8.000000000e+00, v20;
	v12 =	vld [tilespmem:s10+$0xFFFFFF80];
	[tilespmem:v23+s22+$0x0] =	vst.idx.msk $0xffff, v10  }
0x163: {  	v9 =	vmov s5;
	v10 =	vadd.s32 v1, v26;
	[tilespmem:v14+s22+$0x0] =	vst.idx.msk $0xffff, v11;
	v11 =	vld [tilespmem:s10+$0xFFFFFFC0];
	v23 =	vmul.f32 $8.000000000e+00, v24  }
0x164: {  	s8 =	sadd.s32 $0x3, s5;
	v9 =	vand.u32 $0x7C, v9;
	v20 =	vmul.f32 $8.000000000e+00, v25;
	[tilespmem:v27+s22+$0x0] =	vst.idx.msk $0xffff, v15;
	v14 =	vld [tilespmem:s10+$0xFFFFFF40];
	v15 =	vadd.s32 v3, v6;
	v6 =	vmovc v21;
	s10 =	smov.u32 s12;
	s12 =	sadd.s32 $0x100, s12  }
0x165: {  	v22 =	vmov s8;
	v17 =	vadd.s32 v3, v7;
	v7 =	vmovc v26;
	s5 =	sadd.s32 $0x4, s5;
	v19 =	vld [tilespmem:s12+$0xFFFFFFD0];
	v21 =	vmul.f32 $8.000000000e+00, v28;
	[tilespmem:v29+s22+$0x0] =	vst.idx.msk $0xffff, v23  }
0x166: {  	s5 =	sadd.s32 $0x1, s13;
	v22 =	vand.u32 $0x7F, v22;
	v28 =	vld [tilespmem:s12+$0xFFFFFF10]  }
0x167: {  	s8 =	sadd.s32 $0x2, s13;
	v24 =	vld [tilespmem:s12+$0xFFFFFF50];
	v23 =	vmov s5;
	v25 =	vadd.s32 v0, v22  }
0x168: {  	v27 =	vld [tilespmem:s12+$0xFFFFFF90];
	v51 =	vadd.s32 v0, v9;
	v26 =	vmov s8;
	v23 =	vand.u32 $0x7D, v23  }
0x169: {  	v26 =	vand.u32 $0x7E, v26;
	v29 =	vadd.s32 v0, v23  }
0x16a: {  	[tilespmem:v18+s22+$0x0] =	vst.idx.msk $0xffff, v20;
	v30 =	vadd.s32 v0, v26;
	v19 =	vmul.f32 $8.000000000e+00, v19  }
0x16b: {  	[tilespmem:v16+s22+$0x0] =	vst.idx.msk $0xffff, v21;
	v54 =	vmul.f32 $8.000000000e+00, v28  }
0x16c: {  	v52 =	vmul.f32 $8.000000000e+00, v24;
	[tilespmem:v25+s22+$0x0] =	vst.idx.msk $0xffff, v19  }
0x16d: {  	v53 =	vmul.f32 $8.000000000e+00, v27;
	v55 =	vld [tilespmem:s12+$0xFFFFFFE0];
	[tilespmem:v51+s22+$0x0] =	vst.idx.msk $0xffff, v54  }
0x16e: {  	v13 =	vmul.f32 $8.000000000e+00, v13;
	v8 =	vadd.s32 v3, v8;
	[tilespmem:v29+s22+$0x0] =	vst.idx.msk $0xffff, v52;
	v59 =	vld [tilespmem:s12+$0xFFFFFF20]  }
0x16f: {  	v12 =	vmul.f32 $8.000000000e+00, v12;
	v57 =	vadd.s32 v1, v22;
	[tilespmem:v30+s22+$0x0] =	vst.idx.msk $0xffff, v53;
	v56 =	vld [tilespmem:s12+$0xFFFFFF60]  }
0x170: {  	[tilespmem:v10+s22+$0x0] =	vst.idx.msk $0xffff, v13;
	v58 =	vmul.f32 $8.000000000e+00, v11;
	v28 =	vadd.s32 v1, v9;
	v19 =	vld [tilespmem:s12+$0xFFFFFFA0]  }
0x171: {  	v61 =	vld [tilespmem:s10+$0xFFFFFFF0];
	v60 =	vadd.s32 v1, v23;
	v14 =	vmul.f32 $8.000000000e+00, v14;
	[tilespmem:v15+s22+$0x0] =	vst.idx.msk $0xffff, v12  }
0x172: {  	v32 =	vld [tilespmem:s10+$0xFFFFFF30];
	v62 =	vadd.s32 v1, v26;
	[tilespmem:v17+s22+$0x0] =	vst.idx.msk $0xffff, v58;
	v16 =	vmul.f32 $8.000000000e+00, v55  }
0x173: {  	[tilespmem:v8+s22+$0x0] =	vst.idx.msk $0xffff, v14;
	v29 =	vadd.s32 v2, v5;
	v30 =	vld [tilespmem:s10+$0xFFFFFFB0];
	v11 =	vmul.f32 $8.000000000e+00, v59  }
0x174: {  	v38 =	vadd.s32 v2, v4;
	v63 =	vld [tilespmem:s10+$0xFFFFFF70];
	v31 =	vmul.f32 $8.000000000e+00, v56;
	[tilespmem:v57+s22+$0x0] =	vst.idx.msk $0xffff, v16  }
0x175: {  	v35 =	vadd.s32 v2, v7;
	v34 =	vmul.f32 $8.000000000e+00, v19;
	v36 =	vld [tilespmem:s12+$0xFFFFFFF0];
	[tilespmem:v28+s22+$0x0] =	vst.idx.msk $0xffff, v11  }
0x176: {  	v33 =	vadd.s32 v2, v6;
	v37 =	vmul.f32 $8.000000000e+00, v61;
	[tilespmem:v60+s22+$0x0] =	vst.idx.msk $0xffff, v31;
	v43 =	vld [tilespmem:s12+$0xFFFFFF30]  }
0x177: {  	v40 =	vadd.s32 v2, v22;
	v14 =	vmul.f32 $8.000000000e+00, v32;
	[tilespmem:v62+s22+$0x0] =	vst.idx.msk $0xffff, v34;
	v39 =	vld [tilespmem:s12+$0xFFFFFF70]  }
0x178: {  	v48 =	vadd.s32 v2, v9;
	[tilespmem:v29+s22+$0x0] =	vst.idx.msk $0xffff, v37;
	v42 =	vmul.f32 $8.000000000e+00, v30;
	v41 =	vld [tilespmem:s12+$0xFFFFFFB0]  }
0x179: {  	v44 =	vadd.s32 v2, v23;
	v15 =	vmul.f32 $8.000000000e+00, v63;
	[tilespmem:v38+s22+$0x0] =	vst.idx.msk $0xffff, v14;
	v45 =	vld [tilespmem:s10+$0x0]  }
0x17a: {  	v46 =	vadd.s32 v2, v26;
	v14 =	vld [tilespmem:s10+$0xFFFFFF40];
	[tilespmem:v35+s22+$0x0] =	vst.idx.msk $0xffff, v42;
	v47 =	vmul.f32 $8.000000000e+00, v36  }
0x17b: {  	v5 =	vadd.s32 v3, v5;
	[tilespmem:v33+s22+$0x0] =	vst.idx.msk $0xffff, v15;
	v49 =	vld [tilespmem:s10+$0xFFFFFFC0];
	v53 =	vmul.f32 $8.000000000e+00, v43  }
0x17c: {  	v4 =	vadd.s32 v3, v4;
	v21 =	vld [tilespmem:s10+$0xFFFFFF80];
	v12 =	vmul.f32 $8.000000000e+00, v39;
	[tilespmem:v40+s22+$0x0] =	vst.idx.msk $0xffff, v47  }
0x17d: {  	v52 =	vadd.s32 v3, v7;
	v51 =	vmul.f32 $8.000000000e+00, v41;
	v10 =	vld [tilespmem:s12+$0x0];
	[tilespmem:v48+s22+$0x0] =	vst.idx.msk $0xffff, v53  }
0x17e: {  	v50 =	vadd.s32 v3, v6;
	v54 =	vmul.f32 $8.000000000e+00, v45;
	[tilespmem:v44+s22+$0x0] =	vst.idx.msk $0xffff, v12;
	v59 =	vld [tilespmem:s12+$0xFFFFFF40]  }
0x17f: {  	v57 =	vadd.s32 v3, v22;
	v14 =	vmul.f32 $8.000000000e+00, v14;
	[tilespmem:v46+s22+$0x0] =	vst.idx.msk $0xffff, v51;
	v55 =	vld [tilespmem:s12+$0xFFFFFF80]  }
0x180: {  	v62 =	vadd.s32 v3, v9;
	[tilespmem:v5+s22+$0x0] =	vst.idx.msk $0xffff, v54;
	v5 =	vmul.f32 $8.000000000e+00, v49;
	v58 =	vld [tilespmem:s12+$0xFFFFFFC0]  }
0x181: {  	v56 =	vmul.f32 $8.000000000e+00, v21;
	v60 =	vadd.s32 v3, v23;
	[tilespmem:v4+s22+$0x0] =	vst.idx.msk $0xffff, v14  }
0x182: {  	v61 =	vadd.s32 v3, v26;
	[tilespmem:v52+s22+$0x0] =	vst.idx.msk $0xffff, v5;
	v5 =	vmul.f32 $8.000000000e+00, v10  }
0x183: {  	[tilespmem:v50+s22+$0x0] =	vst.idx.msk $0xffff, v56;
	v63 =	vmul.f32 $8.000000000e+00, v59  }
0x184: {  	s10 =	sshll.u32 s31, $0x12;
	v4 =	vmul.f32 $8.000000000e+00, v55;
	[tilespmem:v57+s22+$0x0] =	vst.idx.msk $0xffff, v5  }
0x185: {  	s5 =	sor.u32 s6, s10;
	v5 =	vmul.f32 $8.000000000e+00, v58;
	[tilespmem:v62+s22+$0x0] =	vst.idx.msk $0xffff, v63  }
0x186: {  	s5 =	sshrl.u32 s5, $0x3;
	[tilespmem:v60+s22+$0x0] =	vst.idx.msk $0xffff, v4  }
0x187: {  	s11 =	simm.s32 $0x12800;
	s10 =	sadd.s32 s2, s5;
	[tilespmem:v61+s22+$0x0] =	vst.idx.msk $0xffff, v5  }
0x188: {  	[hbm4b:s10+s3] =	stream.linear.scatter [tilespmem:s11], [sflag:$0x7], $0x80, $0x38;
	[tilespmem:$0x16C00] =	vst v63  }
0x189: {  	s8 =	sadd.s32 $0x10, s10;
	s12 =	simm.s32 $0x12888  }
0x18a: {  	[hbm4b:s8+s3] =	stream.linear.scatter [tilespmem:s12], [sflag:$0x7], $0x80, $0x38;
	[tilespmem:$0x16C00] =	vst v63  }
0x18b: {  	s13 =	simm.s32 $0x12910;
	s31 =	sadd.s32 $0x20, s10  }
0x18c: {  	[hbm4b:s31+s3] =	stream.linear.scatter [tilespmem:s13], [sflag:$0x7], $0x80, $0x38;
	[tilespmem:$0x16C00] =	vst v63  }
0x18d: {  	s11 =	simm.s32 $0x12998;
	s12 =	sadd.s32 $0x30, s10  }
0x18e: {  	[hbm4b:s12+s3] =	stream.linear.scatter [tilespmem:s11], [sflag:$0x7], $0x80, $0x38;
	[tilespmem:$0x16C00] =	vst v63  }
0x18f: {  	s13 =	simm.s32 $0x12A20;
	s31 =	sadd.s32 $0x40, s10  }
0x190: {  	[hbm4b:s31+s3] =	stream.linear.scatter [tilespmem:s13], [sflag:$0x7], $0x80, $0x38;
	[tilespmem:$0x16C00] =	vst v63  }
0x191: {  	s5 =	simm.s32 $0x440;
	s11 =	simm.s32 $0x12AA8;
	s12 =	sadd.s32 $0x50, s10  }
0x192: {  	[hbm4b:s12+s3] =	stream.linear.scatter [tilespmem:s11], [sflag:$0x7], $0x80, $0x38;
	[tilespmem:$0x16C00] =	vst v63  }
0x193: {  	s8 =	sadd.s32 $0x70, s10;
	s13 =	simm.s32 $0x12B30;
	s31 =	sadd.s32 $0x60, s10  }
0x194: {  	[hbm4b:s31+s3] =	stream.linear.scatter [tilespmem:s13], [sflag:$0x7], $0x80, $0x38;
	[tilespmem:$0x16C00] =	vst v63  }
0x195: {  	s10 =	sadd.s32 $0x1000, s10;
	s12 =	simm.s32 $0x2200;
	s13 =	simm.s32 $0x12BB8  }
.LBB2_13:
0x196: {  	[hbm4b:s8+s3] =	stream.linear.scatter [tilespmem:s13], [sflag:$0x7], $0x80, $0x38;
	[tilespmem:$0x16C00] =	vst v63  }
0x197: {  	s8 =	smov.u32 s5;
	s5 =	smov.u32 s12  }
0x198: {  	s11 =	sadd.s32 $0x1100, s12;
	s5 =	sshra.s32 s5, $0x2;
	s13 =	sadd.s32 $0x12800, s8  }
0x199: {  	[hbm4b:s10+s3] =	stream.linear.scatter [tilespmem:s13], [sflag:$0x7], $0x80, $0x38;
	[tilespmem:$0x16C00] =	vst v63  }
0x19a: {  	p1 =	sne.s32 s12, $0x7700;
	s12 =	sadd.s32 $0x12888, s8;
	s13 =	sadd.s32 $0x10, s10  }
0x19b: {  	[hbm4b:s13+s3] =	stream.linear.scatter [tilespmem:s12], [sflag:$0x7], $0x80, $0x38;
	[tilespmem:$0x16C00] =	vst v63  }
0x19c: {  	s12 =	sadd.s32 $0x12910, s8;
	s13 =	sadd.s32 $0x20, s10  }
0x19d: {  	[hbm4b:s13+s3] =	stream.linear.scatter [tilespmem:s12], [sflag:$0x7], $0x80, $0x38;
	[tilespmem:$0x16C00] =	vst v63  }
0x19e: {  	s12 =	sadd.s32 $0x12998, s8;
	s13 =	sadd.s32 $0x30, s10  }
0x19f: {  	[hbm4b:s13+s3] =	stream.linear.scatter [tilespmem:s12], [sflag:$0x7], $0x80, $0x38;
	[tilespmem:$0x16C00] =	vst v63  }
0x1a0: {  	s12 =	sadd.s32 $0x12A20, s8;
	s13 =	sadd.s32 $0x40, s10  }
0x1a1: {  	[hbm4b:s13+s3] =	stream.linear.scatter [tilespmem:s12], [sflag:$0x7], $0x80, $0x38;
	[tilespmem:$0x16C00] =	vst v63  }
0x1a2: {  	s12 =	sadd.s32 $0x12AA8, s8;
	s13 =	sadd.s32 $0x50, s10  }
0x1a3: {  	[hbm4b:s13+s3] =	stream.linear.scatter [tilespmem:s12], [sflag:$0x7], $0x80, $0x38;
	[tilespmem:$0x16C00] =	vst v63  }
.Ltmp5:
0x1a4: {  	_ = 	snop;
	(pc) =	sbr.rel @p1 .LBB2_13-.Ltmp5, $4  }
0x1a5: {  	s12 =	sadd.s32 $0x12B30, s8;
	s13 =	sadd.s32 $0x60, s10  }
0x1a6: {  	[hbm4b:s13+s3] =	stream.linear.scatter [tilespmem:s12], [sflag:$0x7], $0x80, $0x38;
	[tilespmem:$0x16C00] =	vst v63  }
0x1a7: {  	s13 =	sadd.s32 $0x12BB8, s8  }
0x1a8: {  	s8 =	sadd.s32 $0x70, s10;
	s10 =	sadd.s32 $0x1000, s10;
	s12 =	smov.u32 s11  }
0x1a9: {  	[hbm4b:s8+s3] =	stream.linear.scatter [tilespmem:s13], [sflag:$0x7], $0x80, $0x38;
	[tilespmem:$0x16C00] =	vst v63  }
0x1aa: {  	s11 =	sadd.s32 $0x12800, s5  }
0x1ab: {  	[hbm4b:s10+s3] =	stream.linear.scatter [tilespmem:s11], [sflag:$0x7], $0x80, $0x38;
	[tilespmem:$0x16C00] =	vst v63  }
0x1ac: {  	s12 =	sadd.s32 $0x12888, s5;
	s11 =	sadd.s32 $0x10, s10  }
0x1ad: {  	[hbm4b:s11+s3] =	stream.linear.scatter [tilespmem:s12], [sflag:$0x7], $0x80, $0x38;
	[tilespmem:$0x16C00] =	vst v63  }
0x1ae: {  	s13 =	sadd.s32 $0x12910, s5;
	s31 =	sadd.s32 $0x20, s10  }
0x1af: {  	[hbm4b:s31+s3] =	stream.linear.scatter [tilespmem:s13], [sflag:$0x7], $0x80, $0x38;
	[tilespmem:$0x16C00] =	vst v63  }
0x1b0: {  	s11 =	sadd.s32 $0x12998, s5;
	s12 =	sadd.s32 $0x30, s10  }
0x1b1: {  	[hbm4b:s12+s3] =	stream.linear.scatter [tilespmem:s11], [sflag:$0x7], $0x80, $0x38;
	[tilespmem:$0x16C00] =	vst v63  }
0x1b2: {  	s13 =	sadd.s32 $0x12A20, s5;
	s31 =	sadd.s32 $0x40, s10  }
0x1b3: {  	[hbm4b:s31+s3] =	stream.linear.scatter [tilespmem:s13], [sflag:$0x7], $0x80, $0x38;
	[tilespmem:$0x16C00] =	vst v63  }
0x1b4: {  	s11 =	sadd.s32 $0x12AA8, s5;
	s12 =	sadd.s32 $0x50, s10  }
0x1b5: {  	[hbm4b:s12+s3] =	stream.linear.scatter [tilespmem:s11], [sflag:$0x7], $0x80, $0x38;
	[tilespmem:$0x16C00] =	vst v63  }
0x1b6: {  	s13 =	sadd.s32 $0x12B30, s5;
	s31 =	sadd.s32 $0x60, s10  }
0x1b7: {  	[hbm4b:s31+s3] =	stream.linear.scatter [tilespmem:s13], [sflag:$0x7], $0x80, $0x38;
	[tilespmem:$0x16C00] =	vst v63  }
0x1b8: {  	s8 =	sadd.s32 $0x12BB8, s5;
	s10 =	sadd.s32 $0x70, s10  }
0x1b9: {  	[hbm4b:s10+s3] =	stream.linear.scatter [tilespmem:s8], [sflag:$0x7], $0x80, $0x38;
	[tilespmem:$0x16C00] =	vst v63  }
0x1ba: {  	_ =	swait.ge [sflag:s23], $0x2000  }
0x1bb: {  	s1 =	sadd.s32 @!p0 $0x280, s1;
	[sflag:s23] =	ssyncset.done $0x0  }
0x1bc: {  	s5 =	simm.s32 @!p0 $0x80;
	s8 =	simm.s32 @!p0 $0x8400;
	[sflag:s23] =	ssyncadd.s32 $0xFFFFE000  }
0x1bd: {  	[tilespmem:s8], [sflag:$0x2] =	stream.indirect.gather @!p0 [hbm4b:s4+s5], $0x40, s1, s5, $0xb8;
	[tilespmem:$0x16C00] =	vst v63  }
0x1be: {  	_ =	swait.ge [sflag:s24], $0x2000  }
0x1bf: {  	[sflag:s24] =	ssyncset.done $0x0  }
0x1c0: {  	s11 =	simm.s32 $0x3;
	s5 =	simm.s32 $0xC4F0;
	[sflag:s24] =	ssyncadd.s32 $0xFFFFE000  }
0x1c1: {  	v4 =	vmov s11;
	v5 =	vld [tilespmem:s5+$0xFFFFFFD0]  }
0x1c2: {  	v9 =	vand.u32 $0x7F, v4  }
0x1c3: {  	s12 =	simm.s32 $0x0;
	v4 =	vadd.s32 v0, v9  }
0x1c4: {  	v6 =	vmov s12;
	s13 =	simm.s32 $0x1;
	s31 =	simm.s32 $0x2;
	v7 =	vld [tilespmem:s5+$0xFFFFFF10]  }
0x1c5: {  	v8 =	vand.u32 $0x7C, v6;
	v6 =	vmov s13;
	v11 =	vmov s31;
	v10 =	vld [tilespmem:s5+$0xFFFFFF50]  }
0x1c6: {  	v12 =	vadd.s32 v0, v8;
	v15 =	vand.u32 $0x7D, v6;
	v6 =	vld [tilespmem:s5+$0xFFFFFF90];
	v5 =	vmul.f32 $8.000000000e+00, v5  }
0x1c7: {  	v17 =	vand.u32 $0x7E, v11;
	v13 =	vadd.s32 v0, v15  }
0x1c8: {  	v11 =	vadd.s32 v0, v17;
	[tilespmem:v4+s25+$0x0] =	vst.idx.msk $0xffff, v5  }
0x1c9: {  	v4 =	vmul.f32 $8.000000000e+00, v7;
	v5 =	vld [tilespmem:s5+$0xFFFFFFE0]  }
0x1ca: {  	v7 =	vmul.f32 $8.000000000e+00, v10  }
0x1cb: {  	[tilespmem:v12+s25+$0x0] =	vst.idx.msk $0xffff, v4;
	v4 =	vmul.f32 $8.000000000e+00, v6;
	v6 =	vadd.s32 v1, v9  }
0x1cc: {  	[tilespmem:v13+s25+$0x0] =	vst.idx.msk $0xffff, v7;
	v10 =	vld [tilespmem:s5+$0xFFFFFF20]  }
0x1cd: {  	v7 =	vld [tilespmem:s5+$0xFFFFFF60];
	[tilespmem:v11+s25+$0x0] =	vst.idx.msk $0xffff, v4  }
0x1ce: {  	v11 =	vld [tilespmem:s5+$0xFFFFFFA0];
	v4 =	vmul.f32 $8.000000000e+00, v5  }
0x1cf: {  	s11 =	simm.s32 $0x7;
	s10 =	simm.s32 $0x4;
	s1 =	simm.s32 $0xC5F0;
	v12 =	vadd.s32 v1, v15  }
0x1d0: {  	v14 =	vld [tilespmem:s1+$0xFFFFFFD0];
	v13 =	vadd.s32 v1, v17;
	v5 =	vmov s10;
	[tilespmem:v6+s25+$0x0] =	vst.idx.msk $0xffff, v4;
	v6 =	vmov s11  }
0x1d1: {  	v16 =	vadd.s32 v1, v8;
	v4 =	vand.u32 $0x7C, v5;
	v5 =	vand.u32 $0x7F, v6;
	v18 =	vld [tilespmem:s5+$0xFFFFFFF0]  }
0x1d2: {  	s12 =	simm.s32 $0x5;
	v22 =	vadd.s32 v2, v9;
	v19 =	vld [tilespmem:s1+$0xFFFFFF10];
	v6 =	vmul.f32 $8.000000000e+00, v7;
	v20 =	vadd.s32 v0, v5  }
0x1d3: {  	s13 =	simm.s32 $0x6;
	v21 =	vld [tilespmem:s1+$0xFFFFFF50];
	v10 =	vmul.f32 $8.000000000e+00, v10;
	v7 =	vmul.f32 $8.000000000e+00, v11;
	v11 =	vmov s12  }
0x1d4: {  	v23 =	vadd.s32 v0, v4;
	[tilespmem:v12+s25+$0x0] =	vst.idx.msk $0xffff, v6;
	v12 =	vmov s13;
	v6 =	vand.u32 $0x7D, v11;
	v11 =	vld [tilespmem:s1+$0xFFFFFF90]  }
0x1d5: {  	[tilespmem:v13+s25+$0x0] =	vst.idx.msk $0xffff, v7;
	v13 =	vadd.s32 v0, v6;
	v7 =	vand.u32 $0x7E, v12;
	v12 =	vmul.f32 $8.000000000e+00, v14;
	v14 =	vld [tilespmem:s5+$0xFFFFFF70]  }
0x1d6: {  	[tilespmem:v16+s25+$0x0] =	vst.idx.msk $0xffff, v10;
	v10 =	vadd.s32 v0, v7;
	v16 =	vld [tilespmem:s5+$0xFFFFFFB0];
	v18 =	vmul.f32 $8.000000000e+00, v18  }
0x1d7: {  	v19 =	vmul.f32 $8.000000000e+00, v19;
	[tilespmem:v20+s25+$0x0] =	vst.idx.msk $0xffff, v12;
	v12 =	vld [tilespmem:s5+$0xFFFFFF30];
	v20 =	vadd.s32 v2, v15  }
0x1d8: {  	v25 =	vadd.s32 v2, v17;
	v21 =	vmul.f32 $8.000000000e+00, v21;
	v24 =	vld [tilespmem:s1+$0xFFFFFFE0];
	[tilespmem:v22+s25+$0x0] =	vst.idx.msk $0xffff, v18  }
0x1d9: {  	[tilespmem:v23+s25+$0x0] =	vst.idx.msk $0xffff, v19;
	v19 =	vadd.s32 v2, v8;
	v11 =	vmul.f32 $8.000000000e+00, v11;
	v22 =	vld [tilespmem:s5+$0x0]  }
0x1da: {  	v23 =	vld [tilespmem:s1+$0xFFFFFF20];
	[tilespmem:v13+s25+$0x0] =	vst.idx.msk $0xffff, v21;
	v21 =	vadd.s32 v1, v5;
	v14 =	vmul.f32 $8.000000000e+00, v14  }
0x1db: {  	v27 =	vadd.s32 v3, v9;
	v26 =	vld [tilespmem:s1+$0xFFFFFF60];
	[tilespmem:v10+s25+$0x0] =	vst.idx.msk $0xffff, v11;
	v10 =	vmul.f32 $8.000000000e+00, v16  }
0x1dc: {  	v18 =	vadd.s32 v1, v4;
	v13 =	vld [tilespmem:s1+$0xFFFFFFA0];
	v9 =	vmul.f32 $8.000000000e+00, v12;
	[tilespmem:v20+s25+$0x0] =	vst.idx.msk $0xffff, v14  }
0x1dd: {  	s12 =	simm.s32 $0x8;
	v16 =	vadd.s32 v1, v6;
	[tilespmem:v25+s25+$0x0] =	vst.idx.msk $0xffff, v10;
	v14 =	vmul.f32 $8.000000000e+00, v24;
	v12 =	vld [tilespmem:s5+$0xFFFFFF80]  }
0x1de: {  	v20 =	vmov s12;
	v10 =	vadd.s32 v1, v7;
	v11 =	vld [tilespmem:s5+$0xFFFFFFC0];
	[tilespmem:v19+s25+$0x0] =	vst.idx.msk $0xffff, v9;
	v63 =	vmul.f32 $8.000000000e+00, v22  }
0x1df: {  	s31 =	simm.s32 $0xB;
	s10 =	simm.s32 $0xC6F0;
	v15 =	vadd.s32 v3, v15;
	v9 =	vand.u32 $0x7C, v20;
	v20 =	vmul.f32 $8.000000000e+00, v23;
	[tilespmem:v21+s25+$0x0] =	vst.idx.msk $0xffff, v14;
	v14 =	vld [tilespmem:s5+$0xFFFFFF40]  }
0x1e0: {  	v17 =	vadd.s32 v3, v17;
	v22 =	vmov s31;
	v19 =	vld [tilespmem:s10+$0xFFFFFFD0];
	s5 =	simm.s32 $0xC;
	v21 =	vmul.f32 $8.000000000e+00, v26;
	[tilespmem:v27+s25+$0x0] =	vst.idx.msk $0xffff, v63  }
.LBB2_15:
0x1e1: {  	p0 =	slt.u32 s5, $0x7C;
	s8 =	sadd.s32 $0x1, s12;
	v22 =	vand.u32 $0x7F, v22;
	[tilespmem:v18+s25+$0x0] =	vst.idx.msk $0xffff, v20;
	v13 =	vmul.f32 $8.000000000e+00, v13;
	v18 =	vld [tilespmem:s1+$0xFFFFFFF0];
	v20 =	vadd.s32 v3, v8;
	v8 =	vmovc v4  }
0x1e2: {  	v4 =	vmovc v9;
	v23 =	vld [tilespmem:s10+$0xFFFFFF10];
	v24 =	vmov s8;
	s8 =	sadd.s32 $0x2, s12;
	v25 =	vadd.s32 v0, v22;
	[tilespmem:v16+s25+$0x0] =	vst.idx.msk $0xffff, v21;
	v12 =	vmul.f32 $8.000000000e+00, v12;
	s12 =	smov.u32 s5  }
0x1e3: {  	v9 =	vld [tilespmem:s10+$0xFFFFFF50];
	v16 =	vmov s8;
	[tilespmem:v10+s25+$0x0] =	vst.idx.msk $0xffff, v13;
	v10 =	vadd.s32 v2, v5;
	v11 =	vmul.f32 $8.000000000e+00, v11  }
0x1e4: {  	v13 =	vadd.s32 v0, v4;
	v21 =	vand.u32 $0x7D, v24;
	v24 =	vld [tilespmem:s10+$0xFFFFFF90];
	v14 =	vmul.f32 $8.000000000e+00, v14;
	[tilespmem:v15+s25+$0x0] =	vst.idx.msk $0xffff, v12  }
0x1e5: {  	v12 =	vadd.s32 v0, v21;
	v26 =	vand.u32 $0x7E, v16;
	v15 =	vmul.f32 $8.000000000e+00, v19;
	v16 =	vld [tilespmem:s1+$0xFFFFFF70];
	[tilespmem:v17+s25+$0x0] =	vst.idx.msk $0xffff, v11  }
0x1e6: {  	v11 =	vadd.s32 v0, v26;
	v17 =	vld [tilespmem:s1+$0xFFFFFFB0];
	v18 =	vmul.f32 $8.000000000e+00, v18;
	[tilespmem:v20+s25+$0x0] =	vst.idx.msk $0xffff, v14  }
0x1e7: {  	v19 =	vadd.s32 v2, v6;
	v14 =	vmul.f32 $8.000000000e+00, v23;
	[tilespmem:v25+s25+$0x0] =	vst.idx.msk $0xffff, v15;
	v15 =	vld [tilespmem:s1+$0xFFFFFF30]  }
0x1e8: {  	v23 =	vadd.s32 v2, v7;
	v9 =	vmul.f32 $8.000000000e+00, v9;
	v20 =	vld [tilespmem:s10+$0xFFFFFFE0];
	[tilespmem:v10+s25+$0x0] =	vst.idx.msk $0xffff, v18  }
0x1e9: {  	[tilespmem:v13+s25+$0x0] =	vst.idx.msk $0xffff, v14;
	v10 =	vmul.f32 $8.000000000e+00, v24;
	v14 =	vadd.s32 v2, v8;
	v24 =	vld [tilespmem:s1+$0x0]  }
0x1ea: {  	v27 =	vadd.s32 v1, v22;
	v25 =	vld [tilespmem:s10+$0xFFFFFF20];
	[tilespmem:v12+s25+$0x0] =	vst.idx.msk $0xffff, v9;
	v9 =	vmul.f32 $8.000000000e+00, v16  }
0x1eb: {  	v29 =	vadd.s32 v3, v5;
	v5 =	vmov v22;
	v28 =	vld [tilespmem:s10+$0xFFFFFF60];
	[tilespmem:v11+s25+$0x0] =	vst.idx.msk $0xffff, v10;
	v10 =	vmul.f32 $8.000000000e+00, v17  }
.Ltmp6:
0x1ec: {  	v18 =	vadd.s32 v1, v4;
	v13 =	vld [tilespmem:s10+$0xFFFFFFA0];
	v11 =	vmul.f32 $8.000000000e+00, v15;
	[tilespmem:v19+s25+$0x0] =	vst.idx.msk $0xffff, v9;
	(pc) =	sbr.rel @p0 .LBB2_15-.Ltmp6, $4  }
0x1ed: {  	v16 =	vadd.s32 v1, v21;
	v15 =	vmul.f32 $8.000000000e+00, v20;
	v12 =	vld [tilespmem:s1+$0xFFFFFF80];
	[tilespmem:v23+s25+$0x0] =	vst.idx.msk $0xffff, v10  }
0x1ee: {  	v9 =	vmov s5;
	v10 =	vadd.s32 v1, v26;
	[tilespmem:v14+s25+$0x0] =	vst.idx.msk $0xffff, v11;
	v11 =	vld [tilespmem:s1+$0xFFFFFFC0];
	v23 =	vmul.f32 $8.000000000e+00, v24  }
0x1ef: {  	s8 =	sadd.s32 $0x3, s5;
	v9 =	vand.u32 $0x7C, v9;
	v20 =	vmul.f32 $8.000000000e+00, v25;
	[tilespmem:v27+s25+$0x0] =	vst.idx.msk $0xffff, v15;
	v14 =	vld [tilespmem:s1+$0xFFFFFF40];
	v15 =	vadd.s32 v3, v6;
	v6 =	vmovc v21;
	s1 =	smov.u32 s10;
	s10 =	sadd.s32 $0x100, s10  }
0x1f0: {  	v22 =	vmov s8;
	v17 =	vadd.s32 v3, v7;
	v7 =	vmovc v26;
	s5 =	sadd.s32 $0x4, s5;
	v19 =	vld [tilespmem:s10+$0xFFFFFFD0];
	v21 =	vmul.f32 $8.000000000e+00, v28;
	[tilespmem:v29+s25+$0x0] =	vst.idx.msk $0xffff, v23  }
0x1f1: {  	s5 =	sadd.s32 $0x1, s12;
	v22 =	vand.u32 $0x7F, v22;
	v28 =	vld [tilespmem:s10+$0xFFFFFF10]  }
0x1f2: {  	s31 =	sadd.s32 $0x2, s12;
	v24 =	vld [tilespmem:s10+$0xFFFFFF50];
	v23 =	vmov s5;
	v25 =	vadd.s32 v0, v22  }
0x1f3: {  	v27 =	vld [tilespmem:s10+$0xFFFFFF90];
	v51 =	vadd.s32 v0, v9;
	v26 =	vmov s31;
	v23 =	vand.u32 $0x7D, v23  }
0x1f4: {  	v26 =	vand.u32 $0x7E, v26;
	v29 =	vadd.s32 v0, v23  }
0x1f5: {  	[tilespmem:v18+s25+$0x0] =	vst.idx.msk $0xffff, v20;
	v30 =	vadd.s32 v0, v26;
	v19 =	vmul.f32 $8.000000000e+00, v19  }
0x1f6: {  	[tilespmem:v16+s25+$0x0] =	vst.idx.msk $0xffff, v21;
	v54 =	vmul.f32 $8.000000000e+00, v28  }
0x1f7: {  	v52 =	vmul.f32 $8.000000000e+00, v24;
	[tilespmem:v25+s25+$0x0] =	vst.idx.msk $0xffff, v19  }
0x1f8: {  	v53 =	vmul.f32 $8.000000000e+00, v27;
	v55 =	vld [tilespmem:s10+$0xFFFFFFE0];
	[tilespmem:v51+s25+$0x0] =	vst.idx.msk $0xffff, v54  }
0x1f9: {  	v13 =	vmul.f32 $8.000000000e+00, v13;
	v8 =	vadd.s32 v3, v8;
	[tilespmem:v29+s25+$0x0] =	vst.idx.msk $0xffff, v52;
	v59 =	vld [tilespmem:s10+$0xFFFFFF20]  }
0x1fa: {  	v12 =	vmul.f32 $8.000000000e+00, v12;
	v57 =	vadd.s32 v1, v22;
	[tilespmem:v30+s25+$0x0] =	vst.idx.msk $0xffff, v53;
	v56 =	vld [tilespmem:s10+$0xFFFFFF60]  }
0x1fb: {  	[tilespmem:v10+s25+$0x0] =	vst.idx.msk $0xffff, v13;
	v58 =	vmul.f32 $8.000000000e+00, v11;
	v28 =	vadd.s32 v1, v9;
	v19 =	vld [tilespmem:s10+$0xFFFFFFA0]  }
0x1fc: {  	v61 =	vld [tilespmem:s1+$0xFFFFFFF0];
	v60 =	vadd.s32 v1, v23;
	v14 =	vmul.f32 $8.000000000e+00, v14;
	[tilespmem:v15+s25+$0x0] =	vst.idx.msk $0xffff, v12  }
0x1fd: {  	v32 =	vld [tilespmem:s1+$0xFFFFFF30];
	v62 =	vadd.s32 v1, v26;
	[tilespmem:v17+s25+$0x0] =	vst.idx.msk $0xffff, v58;
	v16 =	vmul.f32 $8.000000000e+00, v55  }
0x1fe: {  	[tilespmem:v8+s25+$0x0] =	vst.idx.msk $0xffff, v14;
	v29 =	vadd.s32 v2, v5;
	v30 =	vld [tilespmem:s1+$0xFFFFFFB0];
	v11 =	vmul.f32 $8.000000000e+00, v59  }
0x1ff: {  	v38 =	vadd.s32 v2, v4;
	v63 =	vld [tilespmem:s1+$0xFFFFFF70];
	v31 =	vmul.f32 $8.000000000e+00, v56;
	[tilespmem:v57+s25+$0x0] =	vst.idx.msk $0xffff, v16  }
0x200: {  	v35 =	vadd.s32 v2, v7;
	v34 =	vmul.f32 $8.000000000e+00, v19;
	v36 =	vld [tilespmem:s10+$0xFFFFFFF0];
	[tilespmem:v28+s25+$0x0] =	vst.idx.msk $0xffff, v11  }
0x201: {  	v33 =	vadd.s32 v2, v6;
	v37 =	vmul.f32 $8.000000000e+00, v61;
	[tilespmem:v60+s25+$0x0] =	vst.idx.msk $0xffff, v31;
	v43 =	vld [tilespmem:s10+$0xFFFFFF30]  }
0x202: {  	v40 =	vadd.s32 v2, v22;
	v14 =	vmul.f32 $8.000000000e+00, v32;
	[tilespmem:v62+s25+$0x0] =	vst.idx.msk $0xffff, v34;
	v39 =	vld [tilespmem:s10+$0xFFFFFF70]  }
0x203: {  	v48 =	vadd.s32 v2, v9;
	[tilespmem:v29+s25+$0x0] =	vst.idx.msk $0xffff, v37;
	v42 =	vmul.f32 $8.000000000e+00, v30;
	v41 =	vld [tilespmem:s10+$0xFFFFFFB0]  }
0x204: {  	v44 =	vadd.s32 v2, v23;
	v15 =	vmul.f32 $8.000000000e+00, v63;
	[tilespmem:v38+s25+$0x0] =	vst.idx.msk $0xffff, v14;
	v45 =	vld [tilespmem:s1+$0x0]  }
0x205: {  	v46 =	vadd.s32 v2, v26;
	v14 =	vld [tilespmem:s1+$0xFFFFFF40];
	[tilespmem:v35+s25+$0x0] =	vst.idx.msk $0xffff, v42;
	v47 =	vmul.f32 $8.000000000e+00, v36  }
0x206: {  	v5 =	vadd.s32 v3, v5;
	[tilespmem:v33+s25+$0x0] =	vst.idx.msk $0xffff, v15;
	v49 =	vld [tilespmem:s1+$0xFFFFFFC0];
	v53 =	vmul.f32 $8.000000000e+00, v43  }
0x207: {  	v4 =	vadd.s32 v3, v4;
	v21 =	vld [tilespmem:s1+$0xFFFFFF80];
	v12 =	vmul.f32 $8.000000000e+00, v39;
	[tilespmem:v40+s25+$0x0] =	vst.idx.msk $0xffff, v47  }
0x208: {  	v52 =	vadd.s32 v3, v7;
	v51 =	vmul.f32 $8.000000000e+00, v41;
	v10 =	vld [tilespmem:s10+$0x0];
	[tilespmem:v48+s25+$0x0] =	vst.idx.msk $0xffff, v53  }
0x209: {  	v50 =	vadd.s32 v3, v6;
	v54 =	vmul.f32 $8.000000000e+00, v45;
	[tilespmem:v44+s25+$0x0] =	vst.idx.msk $0xffff, v12;
	v59 =	vld [tilespmem:s10+$0xFFFFFF40]  }
0x20a: {  	v57 =	vadd.s32 v3, v22;
	v14 =	vmul.f32 $8.000000000e+00, v14;
	[tilespmem:v46+s25+$0x0] =	vst.idx.msk $0xffff, v51;
	v55 =	vld [tilespmem:s10+$0xFFFFFF80]  }
0x20b: {  	v62 =	vadd.s32 v3, v9;
	[tilespmem:v5+s25+$0x0] =	vst.idx.msk $0xffff, v54;
	v5 =	vmul.f32 $8.000000000e+00, v49;
	v58 =	vld [tilespmem:s10+$0xFFFFFFC0]  }
0x20c: {  	v56 =	vmul.f32 $8.000000000e+00, v21;
	v60 =	vadd.s32 v3, v23;
	[tilespmem:v4+s25+$0x0] =	vst.idx.msk $0xffff, v14  }
0x20d: {  	v61 =	vadd.s32 v3, v26;
	[tilespmem:v52+s25+$0x0] =	vst.idx.msk $0xffff, v5;
	v5 =	vmul.f32 $8.000000000e+00, v10  }
0x20e: {  	[tilespmem:v50+s25+$0x0] =	vst.idx.msk $0xffff, v56;
	v63 =	vmul.f32 $8.000000000e+00, v59  }
0x20f: {  	s0 =	sshll.u32 s0, $0x12;
	v4 =	vmul.f32 $8.000000000e+00, v55;
	[tilespmem:v57+s25+$0x0] =	vst.idx.msk $0xffff, v5  }
0x210: {  	s0 =	sor.u32 s6, s0;
	v5 =	vmul.f32 $8.000000000e+00, v58;
	[tilespmem:v62+s25+$0x0] =	vst.idx.msk $0xffff, v63  }
0x211: {  	s0 =	sshrl.u32 s0, $0x3;
	[tilespmem:v60+s25+$0x0] =	vst.idx.msk $0xffff, v4  }
0x212: {  	s5 =	simm.s32 $0x14A00;
	s1 =	sadd.s32 s2, s0;
	[tilespmem:v61+s25+$0x0] =	vst.idx.msk $0xffff, v5  }
0x213: {  	[hbm4b:s1+s3] =	stream.linear.scatter [tilespmem:s5], [sflag:$0x8], $0x80, $0x38;
	[tilespmem:$0x16C00] =	vst v63  }
0x214: {  	s8 =	simm.s32 $0x14A88;
	s10 =	sadd.s32 $0x10, s1  }
0x215: {  	[hbm4b:s10+s3] =	stream.linear.scatter [tilespmem:s8], [sflag:$0x8], $0x80, $0x38;
	[tilespmem:$0x16C00] =	vst v63  }
0x216: {  	s11 =	simm.s32 $0x14B10;
	s13 =	simm.s32 $0x14B98;
	s12 =	sadd.s32 $0x20, s1  }
0x217: {  	[hbm4b:s12+s3] =	stream.linear.scatter [tilespmem:s11], [sflag:$0x8], $0x80, $0x38;
	[tilespmem:$0x16C00] =	vst v63  }
0x218: {  	s0 =	simm.s32 $0x440;
	s31 =	sadd.s32 $0x30, s1;
	s5 =	simm.s32 $0x2200  }
0x219: {  	[hbm4b:s31+s3] =	stream.linear.scatter [tilespmem:s13], [sflag:$0x8], $0x80, $0x38;
	[tilespmem:$0x16C00] =	vst v63  }
0x21a: {  	s8 =	simm.s32 $0x14C20;
	s10 =	sadd.s32 $0x40, s1;
	s11 =	simm.s32 $0x14CA8  }
0x21b: {  	[hbm4b:s10+s3] =	stream.linear.scatter [tilespmem:s8], [sflag:$0x8], $0x80, $0x38;
	[tilespmem:$0x16C00] =	vst v63  }
0x21c: {  	s12 =	sadd.s32 $0x50, s1;
	s13 =	simm.s32 $0x14D30;
	s31 =	sadd.s32 $0x60, s1  }
0x21d: {  	[hbm4b:s12+s3] =	stream.linear.scatter [tilespmem:s11], [sflag:$0x8], $0x80, $0x38;
	[tilespmem:$0x16C00] =	vst v63  }
0x21e: {  	s10 =	simm.s32 $0x14DB8;
	s8 =	sadd.s32 $0x70, s1;
	s1 =	sadd.s32 $0x1000, s1  }
0x21f: {  	[hbm4b:s31+s3] =	stream.linear.scatter [tilespmem:s13], [sflag:$0x8], $0x80, $0x38;
	[tilespmem:$0x16C00] =	vst v63  }
.LBB2_17:
0x220: {  	[hbm4b:s8+s3] =	stream.linear.scatter [tilespmem:s10], [sflag:$0x8], $0x80, $0x38;
	[tilespmem:$0x16C00] =	vst v63  }
0x221: {  	s8 =	smov.u32 s0;
	s0 =	smov.u32 s5  }
0x222: {  	s11 =	sadd.s32 $0x1100, s5;
	s0 =	sshra.s32 s0, $0x2;
	s10 =	sadd.s32 $0x14A00, s8  }
0x223: {  	[hbm4b:s1+s3] =	stream.linear.scatter [tilespmem:s10], [sflag:$0x8], $0x80, $0x38;
	[tilespmem:$0x16C00] =	vst v63  }
0x224: {  	p0 =	sne.s32 s5, $0x7700;
	s5 =	sadd.s32 $0x14A88, s8;
	s10 =	sadd.s32 $0x10, s1  }
0x225: {  	[hbm4b:s10+s3] =	stream.linear.scatter [tilespmem:s5], [sflag:$0x8], $0x80, $0x38;
	[tilespmem:$0x16C00] =	vst v63  }
0x226: {  	s5 =	sadd.s32 $0x14B10, s8;
	s10 =	sadd.s32 $0x20, s1  }
0x227: {  	[hbm4b:s10+s3] =	stream.linear.scatter [tilespmem:s5], [sflag:$0x8], $0x80, $0x38;
	[tilespmem:$0x16C00] =	vst v63  }
0x228: {  	s5 =	sadd.s32 $0x14B98, s8;
	s10 =	sadd.s32 $0x30, s1  }
0x229: {  	[hbm4b:s10+s3] =	stream.linear.scatter [tilespmem:s5], [sflag:$0x8], $0x80, $0x38;
	[tilespmem:$0x16C00] =	vst v63  }
0x22a: {  	s5 =	sadd.s32 $0x14C20, s8;
	s10 =	sadd.s32 $0x40, s1  }
0x22b: {  	[hbm4b:s10+s3] =	stream.linear.scatter [tilespmem:s5], [sflag:$0x8], $0x80, $0x38;
	[tilespmem:$0x16C00] =	vst v63  }
0x22c: {  	s5 =	sadd.s32 $0x14CA8, s8;
	s10 =	sadd.s32 $0x50, s1  }
0x22d: {  	[hbm4b:s10+s3] =	stream.linear.scatter [tilespmem:s5], [sflag:$0x8], $0x80, $0x38;
	[tilespmem:$0x16C00] =	vst v63  }
.Ltmp7:
0x22e: {  	_ = 	snop;
	(pc) =	sbr.rel @p0 .LBB2_17-.Ltmp7, $4  }
0x22f: {  	s5 =	sadd.s32 $0x14D30, s8;
	s10 =	sadd.s32 $0x60, s1  }
0x230: {  	[hbm4b:s10+s3] =	stream.linear.scatter [tilespmem:s5], [sflag:$0x8], $0x80, $0x38;
	[tilespmem:$0x16C00] =	vst v63  }
0x231: {  	s10 =	sadd.s32 $0x14DB8, s8  }
0x232: {  	s8 =	sadd.s32 $0x70, s1;
	s1 =	sadd.s32 $0x1000, s1;
	s5 =	smov.u32 s11  }
0x233: {  	[hbm4b:s8+s3] =	stream.linear.scatter [tilespmem:s10], [sflag:$0x8], $0x80, $0x38;
	[tilespmem:$0x16C00] =	vst v63  }
0x234: {  	s5 =	sadd.s32 $0x14A00, s0  }
0x235: {  	[hbm4b:s1+s3] =	stream.linear.scatter [tilespmem:s5], [sflag:$0x8], $0x80, $0x38;
	[tilespmem:$0x16C00] =	vst v63  }
0x236: {  	s13 =	sadd.s32 $0x14A88, s0;
	s31 =	sadd.s32 $0x10, s1  }
0x237: {  	[hbm4b:s31+s3] =	stream.linear.scatter [tilespmem:s13], [sflag:$0x8], $0x80, $0x38;
	[tilespmem:$0x16C00] =	vst v63  }
0x238: {  	s8 =	sadd.s32 $0x14B10, s0;
	s10 =	sadd.s32 $0x20, s1  }
0x239: {  	[hbm4b:s10+s3] =	stream.linear.scatter [tilespmem:s8], [sflag:$0x8], $0x80, $0x38;
	[tilespmem:$0x16C00] =	vst v63  }
0x23a: {  	s11 =	sadd.s32 $0x14B98, s0;
	s12 =	sadd.s32 $0x30, s1  }
0x23b: {  	[hbm4b:s12+s3] =	stream.linear.scatter [tilespmem:s11], [sflag:$0x8], $0x80, $0x38;
	[tilespmem:$0x16C00] =	vst v63  }
0x23c: {  	s30 =	sadd.s32 $0x1, s30;
	s13 =	sadd.s32 $0x14C20, s0;
	s31 =	sadd.s32 $0x40, s1  }
0x23d: {  	[hbm4b:s31+s3] =	stream.linear.scatter [tilespmem:s13], [sflag:$0x8], $0x80, $0x38;
	[tilespmem:$0x16C00] =	vst v63  }
0x23e: {  	p0 =	sne.s32 s30, $0x32;
	s8 =	sadd.s32 $0x14CA8, s0;
	s10 =	sadd.s32 $0x50, s1  }
0x23f: {  	[hbm4b:s10+s3] =	stream.linear.scatter [tilespmem:s8], [sflag:$0x8], $0x80, $0x38;
	[tilespmem:$0x16C00] =	vst v63  }
.Ltmp8:
0x240: {  	_ = 	snop;
	(pc) =	sbr.rel @p0 .LBB2_2-.Ltmp8, $4  }
0x241: {  	s11 =	sadd.s32 $0x14D30, s0;
	s12 =	sadd.s32 $0x60, s1  }
0x242: {  	[hbm4b:s12+s3] =	stream.linear.scatter [tilespmem:s11], [sflag:$0x8], $0x80, $0x38;
	[tilespmem:$0x16C00] =	vst v63  }
0x243: {  	s13 =	sadd.s32 $0x14DB8, s0;
	s31 =	sadd.s32 $0x70, s1  }
0x244: {  	[hbm4b:s31+s3] =	stream.linear.scatter [tilespmem:s13], [sflag:$0x8], $0x80, $0x38;
	[tilespmem:$0x16C00] =	vst v63  }
0x245: {  	_ =	swait.ge [sflag:s26], $0x2000  }
0x246: {  	[sflag:s26] =	ssyncset.done $0x0  }
0x247: {  	[sflag:s26] =	ssyncadd.s32 $0xFFFFE000  }
0x248: {  	_ =	swait.ge [sflag:s28], $0x2000  }
0x249: {  	s29 =	sadd.s32 $0x1, s29;
	s0 =	rddreg [dreg:$0x4]  }
0x24a: {  	p0 =	sne.s32 s29, s0  }
.Ltmp9:
0x24b: {  	_ = 	snop;
	(pc) =	sbr.rel @p0 .LBB2_1-.Ltmp9, $3  }
0x24c: {  	_ =	sdelay $0x1  }
0x24d: {  	[sflag:s28] =	ssyncset.done $0x0  }
0x24e: {  	[sflag:s28] =	ssyncadd.s32 $0xFFFFE000  }
0x24f: {  	_ =	sfence.sel $0x180000  }
0x250: {  	[bflag:$0x0] =	sbarrier.arrive $0xFFFF  }
0x251: {  	_ =	strace $0x90000047  }
0x252: {  	s0 =	stileid.u32;
	[bflag:$0x2] =	sbarrier.arrive $0xFFFF  }
0x253: {  	p0 =	sne.s32 s0, $0x0;
	s0 =	rddreg [dreg:$0x2]  }
0x254: {  	s0 =	sadd.s32 @!p0 $0x100000, s0  }
0x255: {  	[sflag:s0] =	ssyncadd.tile.s32 @!p0 $0x1;
	_ =	shalt  }
.Lfunc_end2:
_tile_overlayer_lowered:
.L_overlay_start_2:
0x256: {  	(tag) =	ssettag $0x2  }
0x257: {  	s0 =	rddreg [dreg:$0x0];
	s2 =	stileid.u32  }
0x258: {  	s1 =	rddreg [dreg:$0x1];
	p0 =	sne.s32 s2, $0x0  }
0x259: {  	s3 =	rddreg [dreg:$0x2];
	[bflag:$0x3] =	sbarrier.arrive $0xFFFF;
	s2 =	simm.s32 @!p0 $0x1C09  }
0x25a: {  	[timem:s3], [sflag:s2] =	dma.local @!p0 [hbm:s0], s1  }
0x25b: {  	s0 =	simm.s32 @!p0 $0x9  }
0x25c: {  	_ =	swait.ge @!p0 [sflag:s0], s1  }
0x25d: {  	s1 =	ssub.s32 @!p0 $0x0, s1;
	[sflag:s0] =	ssyncset.done @!p0 $0x0  }
0x25e: {  	[sflag:s0] =	ssyncadd.s32 @!p0 s1  }
0x25f: {  	[bflag:$0x3] =	sbarrier.arrive $0xFFFF  }
0x260: {  	_ =	shalt  }

</sc_bundles>
